<compile_context>
chip_gen: v7x
topology: tpu7x:2x2x1
jax: 0.10.2.dev20260603
libtpu: 0.0.44.dev20260713+nightly
codegen_flags: <defaults>
</compile_context>

<pallas_src>
import functools

import jax
import jax.numpy as jnp
from jax import lax
from jax.experimental import pallas as pl
from jax.experimental.pallas import tpu as pltpu
from jax.experimental.pallas import tpu_sc as plsc

B = 16384
D = 32
H1 = 96
H2 = 64

_NC, _NS = 2, 16
_NW = _NC * _NS
_BPW = B // _NW


_HALF = _BPW // 2


def _sc_gather_body(uid_hbm, iid_hbm, U_hbm, Q_hbm, u_out, q_out,
                    uidx_v, qidx_v, ubuf, qbuf, usem, qsem):
    wid = lax.axis_index("s") * _NC + lax.axis_index("c")
    base = wid * _BPW
    pltpu.sync_copy(uid_hbm.at[pl.ds(base, _BPW)], uidx_v)
    pltpu.sync_copy(iid_hbm.at[pl.ds(base, _BPW)], qidx_v)

    for h in range(2):
        def fire(g, _, h=h):
            uch = uidx_v[pl.ds(h * _HALF + g * 16, 16)]
            qch = qidx_v[pl.ds(h * _HALF + g * 16, 16)]
            for j in range(16):
                r = g * 16 + j
                pltpu.make_async_copy(
                    U_hbm.at[pl.ds(uch[j], 1)], ubuf.at[pl.ds(r, 1)],
                    usem).start()
                pltpu.make_async_copy(
                    Q_hbm.at[pl.ds(qch[j], 1)], qbuf.at[pl.ds(r, 1)],
                    qsem).start()
            return _

        lax.fori_loop(0, _HALF // 16, fire, 0)
        pltpu.make_async_copy(
            U_hbm.at[pl.ds(0, _HALF)], ubuf, usem).wait()
        pltpu.sync_copy(ubuf, u_out.at[pl.ds(base + h * _HALF, _HALF)])
        pltpu.make_async_copy(
            Q_hbm.at[pl.ds(0, _HALF)], qbuf, qsem).wait()
        pltpu.sync_copy(qbuf, q_out.at[pl.ds(base + h * _HALF, _HALF)])


@functools.cache
def _sc_gather():
    return pl.kernel(
        _sc_gather_body,
        mesh=plsc.VectorSubcoreMesh(core_axis_name="c", subcore_axis_name="s"),
        out_type=[
            jax.ShapeDtypeStruct((B, D), jnp.float32),
            jax.ShapeDtypeStruct((B, D), jnp.float32),
        ],
        scratch_types=[
            pltpu.VMEM((_BPW,), jnp.int32),
            pltpu.VMEM((_BPW,), jnp.int32),
            pltpu.VMEM((_HALF, D), jnp.float32),
            pltpu.VMEM((_HALF, D), jnp.float32),
            pltpu.SemaphoreType.DMA,
            pltpu.SemaphoreType.DMA,
        ],
    )


def _tc_body(u_ref, q_ref, w1_ref, b1_ref, w2t_ref, b2_ref,
             pred_ref, score_ref):
    u = u_ref[...]
    q = q_ref[...]
    uq = u * q
    pred_ref[...] = jnp.sum(uq, axis=1)
    feat = jnp.concatenate([u, q, uq], axis=1)
    h = jnp.dot(feat, w1_ref[...], preferred_element_type=jnp.float32,
                precision=lax.Precision.HIGHEST)
    h = jnp.maximum(h + b1_ref[...], 0.0)
    score_ref[...] = jnp.sum(h * w2t_ref[...], axis=1) + b2_ref[0, 0]


def _tc_mlp(u, q, W1, b1, W2, b2):
    blk = 2048
    grid = B // blk
    return pl.pallas_call(
        _tc_body,
        grid=(grid,),
        in_specs=[
            pl.BlockSpec((blk, D), lambda i: (i, 0)),
            pl.BlockSpec((blk, D), lambda i: (i, 0)),
            pl.BlockSpec((H1, H2), lambda i: (0, 0)),
            pl.BlockSpec((1, H2), lambda i: (0, 0)),
            pl.BlockSpec((1, H2), lambda i: (0, 0)),
            pl.BlockSpec((1, 1), lambda i: (0, 0)),
        ],
        out_specs=[
            pl.BlockSpec((blk,), lambda i: (i,)),
            pl.BlockSpec((blk,), lambda i: (i,)),
        ],
        out_shape=[
            jax.ShapeDtypeStruct((B,), jnp.float32),
            jax.ShapeDtypeStruct((B,), jnp.float32),
        ],
    )(u, q, W1, b1, W2, b2)


@jax.jit
def kernel(user_ids, item_ids, U, Q, A, Bb, W1, b1, W2, b2):
    del A, Bb
    uid = user_ids.astype(jnp.int32)
    iid = item_ids.astype(jnp.int32)
    u, q = _sc_gather()(uid, iid, U, Q)
    pred, score = _tc_mlp(u, q, W1, b1.reshape(1, H2),
                          W2.reshape(1, H2), b2.reshape(1, 1))
    return pred, score

# --- scband reference (transcript-rebuilt; emitter-appended) ---
"""Pipeline reference for scband-multi-task-net-56633438765683 (READ-ONLY COPY).

The authoritative reference and input builder live on the scoring server;
editing this copy changes nothing except your own understanding.
"""

import jax, jax.numpy as jnp
import numpy as np

B = 16384
V_USERS = 1000000
V_ITEMS = 1000000
D = 32
H1 = 96
H2 = 64

def setup_inputs(seed: int = 0) -> dict:
    key = jax.random.key(seed)
    ks = jax.random.split(key, 8)
    user_ids = jax.random.randint(ks[0], (B,), 0, V_USERS)
    item_ids = jax.random.randint(ks[1], (B,), 0, V_ITEMS)
    # ScaledEmbedding: normal(0, 1/embedding_dim)
    U = jax.random.normal(ks[2], (V_USERS, D), dtype=jnp.float32) * (1.0 / D)
    Q = jax.random.normal(ks[3], (V_ITEMS, D), dtype=jnp.float32) * (1.0 / D)
    # ZeroEmbedding biases
    A = jnp.zeros((V_USERS, 1), dtype=jnp.float32)
    Bb = jnp.zeros((V_ITEMS, 1), dtype=jnp.float32)
    # MLP regression head: Linear(96, 64) -> ReLU -> Linear(64, 1)
    lim1 = 1.0 / np.sqrt(H1)
    W1 = jax.random.uniform(ks[4], (H1, H2), dtype=jnp.float32, minval=-lim1, maxval=lim1)
    b1 = jax.random.uniform(ks[5], (H2,), dtype=jnp.float32, minval=-lim1, maxval=lim1)
    lim2 = 1.0 / np.sqrt(H2)
    W2 = jax.random.uniform(ks[6], (H2, 1), dtype=jnp.float32, minval=-lim2, maxval=lim2)
    b2 = jax.random.uniform(ks[7], (1,), dtype=jnp.float32, minval=-lim2, maxval=lim2)
    return {"user_ids": user_ids, "item_ids": item_ids, "U": U, "Q": Q, "A": A, "Bb": Bb, "W1": W1, "b1": b1, "W2": W2, "b2": b2}

def reference(user_ids, item_ids, U, Q, A, Bb, W1, b1, W2, b2):
    u = jnp.take(U, user_ids, axis=0)          # [B, D]
    q = jnp.take(Q, item_ids, axis=0)          # [B, D]
    a = jnp.take(A, user_ids, axis=0)[:, 0]    # [B]
    b = jnp.take(Bb, item_ids, axis=0)[:, 0]   # [B]
    # bmm of [B,1,D] x [B,D,1] == rowwise dot product
    predictions = jnp.sum(u * q, axis=1) + a + b
    feat = jnp.concatenate([u, q, u * q], axis=1)  # [B, 3D] == [B, 96]
    h = jax.nn.relu(feat @ W1 + b1)
    score = (h @ W2 + b2)[:, 0]
    return (predictions, score)

if __name__ == "__main__":
    import jax
    _d = setup_inputs()
    print(jax.jit(kernel)(*tuple(_d.values())))

</pallas_src>

<mosaic_0001>
#map = affine_map<(d0, d1) -> (0)>
#map1 = affine_map<(d0, d1) -> (0, 0)>
module attributes {stable_mosaic.version = 14 : i64} {
  func.func @_sc_gather_body(%arg0: i32, %arg1: i32, %arg2: memref<16384xi32, #tpu.memory_space<hbm>>, %arg3: memref<16384xi32, #tpu.memory_space<hbm>>, %arg4: memref<1000000x32xf32, #tpu.memory_space<hbm>>, %arg5: memref<1000000x32xf32, #tpu.memory_space<hbm>>, %arg6: memref<16384x32xf32, #tpu.memory_space<hbm>>, %arg7: memref<16384x32xf32, #tpu.memory_space<hbm>>, %arg8: memref<512xi32, #tpu.memory_space<vmem>>, %arg9: memref<512xi32, #tpu.memory_space<vmem>>, %arg10: memref<256x32xf32, #tpu.memory_space<vmem>>, %arg11: memref<256x32xf32, #tpu.memory_space<vmem>>, %arg12: memref<!tpu.dma_semaphore, #tpu.memory_space<semaphore_mem>>, %arg13: memref<!tpu.dma_semaphore, #tpu.memory_space<semaphore_mem>>) attributes {dimension_semantics = [#tpu.dimension_semantics<core_parallel>, #tpu.dimension_semantics<subcore_parallel>], iteration_bounds = array<i64: 2, 16>, scalar_prefetch = 0 : i64, scratch_operands = 6 : i64, tpu.core_type = #tpu.core_type<sc_vector_subcore>, window_params = [{transform_indices = #map}, {transform_indices = #map}, {transform_indices = #map1}, {transform_indices = #map1}, {transform_indices = #map1}, {transform_indices = #map1}]} {
    %mul3A = arith.constant 2 : i32
    %mul3A_0 = arith.muli %arg1, %mul3A : i32
    %add3A = arith.addi %mul3A_0, %arg0 : i32
    %mul3A_1 = arith.constant 512 : i32
    %mul3A_2 = arith.muli %add3A, %mul3A_1 : i32
    "tpu.region"() ({
      %run_scoped3A = tpu.sem_alloc : memref<!tpu.dma_semaphore, #tpu.memory_space<semaphore_mem>>
      %dma_start3A = tpu.memref_slice %arg2[%mul3A_2] : memref<16384xi32, #tpu.memory_space<hbm>> -> memref<512xi32, #tpu.memory_space<hbm>>
      %dma_start3A_45 = tpu.memref_slice %arg2[%mul3A_2] : memref<16384xi32, #tpu.memory_space<hbm>> -> memref<512xi32, #tpu.memory_space<hbm>>
      tpu.enqueue_dma source(%dma_start3A_45 : memref<512xi32, #tpu.memory_space<hbm>>) target(%arg8 : memref<512xi32, #tpu.memory_space<vmem>>) target_semaphore(%run_scoped3A : memref<!tpu.dma_semaphore, #tpu.memory_space<semaphore_mem>>)
      %dma_wait3A_46 = tpu.memref_slice %arg2[%mul3A_2] : memref<16384xi32, #tpu.memory_space<hbm>> -> memref<512xi32, #tpu.memory_space<hbm>>
      %dma_wait3A_47 = tpu.memref_slice %arg2[%mul3A_2] : memref<16384xi32, #tpu.memory_space<hbm>> -> memref<512xi32, #tpu.memory_space<hbm>>
      tpu.wait_dma2 semaphore(%run_scoped3A : memref<!tpu.dma_semaphore, #tpu.memory_space<semaphore_mem>>) src(%dma_wait3A_47 : memref<512xi32, #tpu.memory_space<hbm>>) dst(%arg8 : memref<512xi32, #tpu.memory_space<vmem>>)
      tpu.yield
    }) : () -> ()
    "tpu.region"() ({
      %run_scoped3A = tpu.sem_alloc : memref<!tpu.dma_semaphore, #tpu.memory_space<semaphore_mem>>
      %dma_start3A = tpu.memref_slice %arg3[%mul3A_2] : memref<16384xi32, #tpu.memory_space<hbm>> -> memref<512xi32, #tpu.memory_space<hbm>>
      %dma_start3A_45 = tpu.memref_slice %arg3[%mul3A_2] : memref<16384xi32, #tpu.memory_space<hbm>> -> memref<512xi32, #tpu.memory_space<hbm>>
      tpu.enqueue_dma source(%dma_start3A_45 : memref<512xi32, #tpu.memory_space<hbm>>) target(%arg9 : memref<512xi32, #tpu.memory_space<vmem>>) target_semaphore(%run_scoped3A : memref<!tpu.dma_semaphore, #tpu.memory_space<semaphore_mem>>)
      %dma_wait3A_46 = tpu.memref_slice %arg3[%mul3A_2] : memref<16384xi32, #tpu.memory_space<hbm>> -> memref<512xi32, #tpu.memory_space<hbm>>
      %dma_wait3A_47 = tpu.memref_slice %arg3[%mul3A_2] : memref<16384xi32, #tpu.memory_space<hbm>> -> memref<512xi32, #tpu.memory_space<hbm>>
      tpu.wait_dma2 semaphore(%run_scoped3A : memref<!tpu.dma_semaphore, #tpu.memory_space<semaphore_mem>>) src(%dma_wait3A_47 : memref<512xi32, #tpu.memory_space<hbm>>) dst(%arg9 : memref<512xi32, #tpu.memory_space<vmem>>)
      tpu.yield
    }) : () -> ()
    %scan3A = arith.constant 0 : i32
    %scan3A_3 = arith.constant 0 : i32
    %scan3A_4 = arith.constant 16 : i32
    %scan3A_5 = arith.addi %scan3A_3, %scan3A_4 : i32
    %scan3A_6 = arith.constant 1 : i32
    scf.for %scan3A_45 = %scan3A_3 to %scan3A_5 step %scan3A_6  : i32 {
      %mul3A_46 = arith.constant 16 : i32
      %mul3A_47 = arith.muli %scan3A_45, %mul3A_46 : i32
      %add3A_48 = arith.constant 0 : i32
      %add3A_49 = arith.addi %add3A_48, %mul3A_47 : i32
      %get3A = arith.index_cast %add3A_49 : i32 to index
      %get3A_50 = tpu.vector_load %arg8[%get3A] {strides = array<i32>} : memref<512xi32, #tpu.memory_space<vmem>>, vector<16xi32>,
      %get3A_51 = vector.shape_cast %get3A_50 : vector<16xi32> to vector<16xi32>
      %mul3A_52 = arith.constant 16 : i32
      %mul3A_53 = arith.muli %scan3A_45, %mul3A_52 : i32
      %add3A_54 = arith.constant 0 : i32
      %add3A_55 = arith.addi %add3A_54, %mul3A_53 : i32
      %get3A_56 = arith.index_cast %add3A_55 : i32 to index
      %get3A_57 = tpu.vector_load %arg9[%get3A_56] {strides = array<i32>} : memref<512xi32, #tpu.memory_space<vmem>>, vector<16xi32>,
      %get3A_58 = vector.shape_cast %get3A_57 : vector<16xi32> to vector<16xi32>
      %mul3A_59 = arith.constant 16 : i32
      %mul3A_60 = arith.muli %scan3A_45, %mul3A_59 : i32
      %add3A_61 = arith.constant 0 : i32
      %add3A_62 = arith.addi %mul3A_60, %add3A_61 : i32
      %slice3A = vector.extract_strided_slice %get3A_51 {offsets = [0], sizes = [1], strides = [1]} : vector<16xi32> to vector<1xi32>
      %squeeze3A = vector.extract %slice3A[0] : i32 from vector<1xi32>
      %dma_start3A = arith.constant 0 : i32
      %dma_start3A_63 = tpu.memref_slice %arg10[%add3A_62, %dma_start3A] : memref<256x32xf32, #tpu.memory_space<vmem>> -> memref<1x32xf32, #tpu.memory_space<vmem>>
      %dma_start3A_64 = arith.constant 0 : i32
      %dma_start3A_65 = tpu.memref_slice %arg4[%squeeze3A, %dma_start3A_64] : memref<1000000x32xf32, #tpu.memory_space<hbm>> -> memref<1x32xf32, #tpu.memory_space<hbm>>
      %dma_start3A_66 = arith.constant 0 : i32
      %dma_start3A_67 = tpu.memref_slice %arg10[%add3A_62, %dma_start3A_66] : memref<256x32xf32, #tpu.memory_space<vmem>> -> memref<1x32xf32, #tpu.memory_space<vmem>>
      %dma_start3A_68 = arith.constant 0 : i32
      %dma_start3A_69 = tpu.memref_slice %arg4[%squeeze3A, %dma_start3A_68] : memref<1000000x32xf32, #tpu.memory_space<hbm>> -> memref<1x32xf32, #tpu.memory_space<hbm>>
      tpu.enqueue_dma source(%dma_start3A_69 : memref<1x32xf32, #tpu.memory_space<hbm>>) target(%dma_start3A_67 : memref<1x32xf32, #tpu.memory_space<vmem>>) target_semaphore(%arg12 : memref<!tpu.dma_semaphore, #tpu.memory_space<semaphore_mem>>)
      %slice3A_70 = vector.extract_strided_slice %get3A_58 {offsets = [0], sizes = [1], strides = [1]} : vector<16xi32> to vector<1xi32>
      %squeeze3A_71 = vector.extract %slice3A_70[0] : i32 from vector<1xi32>
      %dma_start3A_72 = arith.constant 0 : i32
      %dma_start3A_73 = tpu.memref_slice %arg11[%add3A_62, %dma_start3A_72] : memref<256x32xf32, #tpu.memory_space<vmem>> -> memref<1x32xf32, #tpu.memory_space<vmem>>
      %dma_start3A_74 = arith.constant 0 : i32
      %dma_start3A_75 = tpu.memref_slice %arg5[%squeeze3A_71, %dma_start3A_74] : memref<1000000x32xf32, #tpu.memory_space<hbm>> -> memref<1x32xf32, #tpu.memory_space<hbm>>
      %dma_start3A_76 = arith.constant 0 : i32
      %dma_start3A_77 = tpu.memref_slice %arg11[%add3A_62, %dma_start3A_76] : memref<256x32xf32, #tpu.memory_space<vmem>> -> memref<1x32xf32, #tpu.memory_space<vmem>>
      %dma_start3A_78 = arith.constant 0 : i32
      %dma_start3A_79 = tpu.memref_slice %arg5[%squeeze3A_71, %dma_start3A_78] : memref<1000000x32xf32, #tpu.memory_space<hbm>> -> memref<1x32xf32, #tpu.memory_space<hbm>>
      tpu.enqueue_dma source(%dma_start3A_79 : memref<1x32xf32, #tpu.memory_space<hbm>>) target(%dma_start3A_77 : memref<1x32xf32, #tpu.memory_space<vmem>>) target_semaphore(%arg13 : memref<!tpu.dma_semaphore, #tpu.memory_space<semaphore_mem>>)
      %mul3A_80 = arith.constant 16 : i32
      %mul3A_81 = arith.muli %scan3A_45, %mul3A_80 : i32
      %add3A_82 = arith.constant 1 : i32
      %add3A_83 = arith.addi %mul3A_81, %add3A_82 : i32
      %slice3A_84 = vector.extract_strided_slice %get3A_51 {offsets = [1], sizes = [1], strides = [1]} : vector<16xi32> to vector<1xi32>
      %squeeze3A_85 = vector.extract %slice3A_84[0] : i32 from vector<1xi32>
      %dma_start3A_86 = arith.constant 0 : i32
      %dma_start3A_87 = tpu.memref_slice %arg10[%add3A_83, %dma_start3A_86] : memref<256x32xf32, #tpu.memory_space<vmem>> -> memref<1x32xf32, #tpu.memory_space<vmem>>
      %dma_start3A_88 = arith.constant 0 : i32
      %dma_start3A_89 = tpu.memref_slice %arg4[%squeeze3A_85, %dma_start3A_88] : memref<1000000x32xf32, #tpu.memory_space<hbm>> -> memref<1x32xf32, #tpu.memory_space<hbm>>
      %dma_start3A_90 = arith.constant 0 : i32
      %dma_start3A_91 = tpu.memref_slice %arg10[%add3A_83, %dma_start3A_90] : memref<256x32xf32, #tpu.memory_space<vmem>> -> memref<1x32xf32, #tpu.memory_space<vmem>>
      %dma_start3A_92 = arith.constant 0 : i32
      %dma_start3A_93 = tpu.memref_slice %arg4[%squeeze3A_85, %dma_start3A_92] : memref<1000000x32xf32, #tpu.memory_space<hbm>> -> memref<1x32xf32, #tpu.memory_space<hbm>>
      tpu.enqueue_dma source(%dma_start3A_93 : memref<1x32xf32, #tpu.memory_space<hbm>>) target(%dma_start3A_91 : memref<1x32xf32, #tpu.memory_space<vmem>>) target_semaphore(%arg12 : memref<!tpu.dma_semaphore, #tpu.memory_space<semaphore_mem>>)
      %slice3A_94 = vector.extract_strided_slice %get3A_58 {offsets = [1], sizes = [1], strides = [1]} : vector<16xi32> to vector<1xi32>
      %squeeze3A_95 = vector.extract %slice3A_94[0] : i32 from vector<1xi32>
      %dma_start3A_96 = arith.constant 0 : i32
      %dma_start3A_97 = tpu.memref_slice %arg11[%add3A_83, %dma_start3A_96] : memref<256x32xf32, #tpu.memory_space<vmem>> -> memref<1x32xf32, #tpu.memory_space<vmem>>
      %dma_start3A_98 = arith.constant 0 : i32
      %dma_start3A_99 = tpu.memref_slice %arg5[%squeeze3A_95, %dma_start3A_98] : memref<1000000x32xf32, #tpu.memory_space<hbm>> -> memref<1x32xf32, #tpu.memory_space<hbm>>
      %dma_start3A_100 = arith.constant 0 : i32
      %dma_start3A_101 = tpu.memref_slice %arg11[%add3A_83, %dma_start3A_100] : memref<256x32xf32, #tpu.memory_space<vmem>> -> memref<1x32xf32, #tpu.memory_space<vmem>>
      %dma_start3A_102 = arith.constant 0 : i32
      %dma_start3A_103 = tpu.memref_slice %arg5[%squeeze3A_95, %dma_start3A_102] : memref<1000000x32xf32, #tpu.memory_space<hbm>> -> memref<1x32xf32, #tpu.memory_space<hbm>>
      tpu.enqueue_dma source(%dma_start3A_103 : memref<1x32xf32, #tpu.memory_space<hbm>>) target(%dma_start3A_101 : memref<1x32xf32, #tpu.memory_space<vmem>>) target_semaphore(%arg13 : memref<!tpu.dma_semaphore, #tpu.memory_space<semaphore_mem>>)
      %mul3A_104 = arith.constant 16 : i32
      %mul3A_105 = arith.muli %scan3A_45, %mul3A_104 : i32
      %add3A_106 = arith.constant 2 : i32
      %add3A_107 = arith.addi %mul3A_105, %add3A_106 : i32
      %slice3A_108 = vector.extract_strided_slice %get3A_51 {offsets = [2], sizes = [1], strides = [1]} : vector<16xi32> to vector<1xi32>
      %squeeze3A_109 = vector.extract %slice3A_108[0] : i32 from vector<1xi32>
      %dma_start3A_110 = arith.constant 0 : i32
      %dma_start3A_111 = tpu.memref_slice %arg10[%add3A_107, %dma_start3A_110] : memref<256x32xf32, #tpu.memory_space<vmem>> -> memref<1x32xf32, #tpu.memory_space<vmem>>
      %dma_start3A_112 = arith.constant 0 : i32
      %dma_start3A_113 = tpu.memref_slice %arg4[%squeeze3A_109, %dma_start3A_112] : memref<1000000x32xf32, #tpu.memory_space<hbm>> -> memref<1x32xf32, #tpu.memory_space<hbm>>
      %dma_start3A_114 = arith.constant 0 : i32
      %dma_start3A_115 = tpu.memref_slice %arg10[%add3A_107, %dma_start3A_114] : memref<256x32xf32, #tpu.memory_space<vmem>> -> memref<1x32xf32, #tpu.memory_space<vmem>>
      %dma_start3A_116 = arith.constant 0 : i32
      %dma_start3A_117 = tpu.memref_slice %arg4[%squeeze3A_109, %dma_start3A_116] : memref<1000000x32xf32, #tpu.memory_space<hbm>> -> memref<1x32xf32, #tpu.memory_space<hbm>>
      tpu.enqueue_dma source(%dma_start3A_117 : memref<1x32xf32, #tpu.memory_space<hbm>>) target(%dma_start3A_115 : memref<1x32xf32, #tpu.memory_space<vmem>>) target_semaphore(%arg12 : memref<!tpu.dma_semaphore, #tpu.memory_space<semaphore_mem>>)
      %slice3A_118 = vector.extract_strided_slice %get3A_58 {offsets = [2], sizes = [1], strides = [1]} : vector<16xi32> to vector<1xi32>
      %squeeze3A_119 = vector.extract %slice3A_118[0] : i32 from vector<1xi32>
      %dma_start3A_120 = arith.constant 0 : i32
      %dma_start3A_121 = tpu.memref_slice %arg11[%add3A_107, %dma_start3A_120] : memref<256x32xf32, #tpu.memory_space<vmem>> -> memref<1x32xf32, #tpu.memory_space<vmem>>
      %dma_start3A_122 = arith.constant 0 : i32
      %dma_start3A_123 = tpu.memref_slice %arg5[%squeeze3A_119, %dma_start3A_122] : memref<1000000x32xf32, #tpu.memory_space<hbm>> -> memref<1x32xf32, #tpu.memory_space<hbm>>
      %dma_start3A_124 = arith.constant 0 : i32
      %dma_start3A_125 = tpu.memref_slice %arg11[%add3A_107, %dma_start3A_124] : memref<256x32xf32, #tpu.memory_space<vmem>> -> memref<1x32xf32, #tpu.memory_space<vmem>>
      %dma_start3A_126 = arith.constant 0 : i32
      %dma_start3A_127 = tpu.memref_slice %arg5[%squeeze3A_119, %dma_start3A_126] : memref<1000000x32xf32, #tpu.memory_space<hbm>> -> memref<1x32xf32, #tpu.memory_space<hbm>>
      tpu.enqueue_dma source(%dma_start3A_127 : memref<1x32xf32, #tpu.memory_space<hbm>>) target(%dma_start3A_125 : memref<1x32xf32, #tpu.memory_space<vmem>>) target_semaphore(%arg13 : memref<!tpu.dma_semaphore, #tpu.memory_space<semaphore_mem>>)
      %mul3A_128 = arith.constant 16 : i32
      %mul3A_129 = arith.muli %scan3A_45, %mul3A_128 : i32
      %add3A_130 = arith.constant 3 : i32
      %add3A_131 = arith.addi %mul3A_129, %add3A_130 : i32
      %slice3A_132 = vector.extract_strided_slice %get3A_51 {offsets = [3], sizes = [1], strides = [1]} : vector<16xi32> to vector<1xi32>
      %squeeze3A_133 = vector.extract %slice3A_132[0] : i32 from vector<1xi32>
      %dma_start3A_134 = arith.constant 0 : i32
      %dma_start3A_135 = tpu.memref_slice %arg10[%add3A_131, %dma_start3A_134] : memref<256x32xf32, #tpu.memory_space<vmem>> -> memref<1x32xf32, #tpu.memory_space<vmem>>
      %dma_start3A_136 = arith.constant 0 : i32
      %dma_start3A_137 = tpu.memref_slice %arg4[%squeeze3A_133, %dma_start3A_136] : memref<1000000x32xf32, #tpu.memory_space<hbm>> -> memref<1x32xf32, #tpu.memory_space<hbm>>
      %dma_start3A_138 = arith.constant 0 : i32
      %dma_start3A_139 = tpu.memref_slice %arg10[%add3A_131, %dma_start3A_138] : memref<256x32xf32, #tpu.memory_space<vmem>> -> memref<1x32xf32, #tpu.memory_space<vmem>>
      %dma_start3A_140 = arith.constant 0 : i32
      %dma_start3A_141 = tpu.memref_slice %arg4[%squeeze3A_133, %dma_start3A_140] : memref<1000000x32xf32, #tpu.memory_space<hbm>> -> memref<1x32xf32, #tpu.memory_space<hbm>>
      tpu.enqueue_dma source(%dma_start3A_141 : memref<1x32xf32, #tpu.memory_space<hbm>>) target(%dma_start3A_139 : memref<1x32xf32, #tpu.memory_space<vmem>>) target_semaphore(%arg12 : memref<!tpu.dma_semaphore, #tpu.memory_space<semaphore_mem>>)
      %slice3A_142 = vector.extract_strided_slice %get3A_58 {offsets = [3], sizes = [1], strides = [1]} : vector<16xi32> to vector<1xi32>
      %squeeze3A_143 = vector.extract %slice3A_142[0] : i32 from vector<1xi32>
      %dma_start3A_144 = arith.constant 0 : i32
      %dma_start3A_145 = tpu.memref_slice %arg11[%add3A_131, %dma_start3A_144] : memref<256x32xf32, #tpu.memory_space<vmem>> -> memref<1x32xf32, #tpu.memory_space<vmem>>
      %dma_start3A_146 = arith.constant 0 : i32
      %dma_start3A_147 = tpu.memref_slice %arg5[%squeeze3A_143, %dma_start3A_146] : memref<1000000x32xf32, #tpu.memory_space<hbm>> -> memref<1x32xf32, #tpu.memory_space<hbm>>
      %dma_start3A_148 = arith.constant 0 : i32
      %dma_start3A_149 = tpu.memref_slice %arg11[%add3A_131, %dma_start3A_148] : memref<256x32xf32, #tpu.memory_space<vmem>> -> memref<1x32xf32, #tpu.memory_space<vmem>>
      %dma_start3A_150 = arith.constant 0 : i32
      %dma_start3A_151 = tpu.memref_slice %arg5[%squeeze3A_143, %dma_start3A_150] : memref<1000000x32xf32, #tpu.memory_space<hbm>> -> memref<1x32xf32, #tpu.memory_space<hbm>>
      tpu.enqueue_dma source(%dma_start3A_151 : memref<1x32xf32, #tpu.memory_space<hbm>>) target(%dma_start3A_149 : memref<1x32xf32, #tpu.memory_space<vmem>>) target_semaphore(%arg13 : memref<!tpu.dma_semaphore, #tpu.memory_space<semaphore_mem>>)
      %mul3A_152 = arith.constant 16 : i32
      %mul3A_153 = arith.muli %scan3A_45, %mul3A_152 : i32
      %add3A_154 = arith.constant 4 : i32
      %add3A_155 = arith.addi %mul3A_153, %add3A_154 : i32
      %slice3A_156 = vector.extract_strided_slice %get3A_51 {offsets = [4], sizes = [1], strides = [1]} : vector<16xi32> to vector<1xi32>
      %squeeze3A_157 = vector.extract %slice3A_156[0] : i32 from vector<1xi32>
      %dma_start3A_158 = arith.constant 0 : i32
      %dma_start3A_159 = tpu.memref_slice %arg10[%add3A_155, %dma_start3A_158] : memref<256x32xf32, #tpu.memory_space<vmem>> -> memref<1x32xf32, #tpu.memory_space<vmem>>
      %dma_start3A_160 = arith.constant 0 : i32
      %dma_start3A_161 = tpu.memref_slice %arg4[%squeeze3A_157, %dma_start3A_160] : memref<1000000x32xf32, #tpu.memory_space<hbm>> -> memref<1x32xf32, #tpu.memory_space<hbm>>
      %dma_start3A_162 = arith.constant 0 : i32
      %dma_start3A_163 = tpu.memref_slice %arg10[%add3A_155, %dma_start3A_162] : memref<256x32xf32, #tpu.memory_space<vmem>> -> memref<1x32xf32, #tpu.memory_space<vmem>>
      %dma_start3A_164 = arith.constant 0 : i32
      %dma_start3A_165 = tpu.memref_slice %arg4[%squeeze3A_157, %dma_start3A_164] : memref<1000000x32xf32, #tpu.memory_space<hbm>> -> memref<1x32xf32, #tpu.memory_space<hbm>>
      tpu.enqueue_dma source(%dma_start3A_165 : memref<1x32xf32, #tpu.memory_space<hbm>>) target(%dma_start3A_163 : memref<1x32xf32, #tpu.memory_space<vmem>>) target_semaphore(%arg12 : memref<!tpu.dma_semaphore, #tpu.memory_space<semaphore_mem>>)
      %slice3A_166 = vector.extract_strided_slice %get3A_58 {offsets = [4], sizes = [1], strides = [1]} : vector<16xi32> to vector<1xi32>
      %squeeze3A_167 = vector.extract %slice3A_166[0] : i32 from vector<1xi32>
      %dma_start3A_168 = arith.constant 0 : i32
      %dma_start3A_169 = tpu.memref_slice %arg11[%add3A_155, %dma_start3A_168] : memref<256x32xf32, #tpu.memory_space<vmem>> -> memref<1x32xf32, #tpu.memory_space<vmem>>
      %dma_start3A_170 = arith.constant 0 : i32
      %dma_start3A_171 = tpu.memref_slice %arg5[%squeeze3A_167, %dma_start3A_170] : memref<1000000x32xf32, #tpu.memory_space<hbm>> -> memref<1x32xf32, #tpu.memory_space<hbm>>
      %dma_start3A_172 = arith.constant 0 : i32
      %dma_start3A_173 = tpu.memref_slice %arg11[%add3A_155, %dma_start3A_172] : memref<256x32xf32, #tpu.memory_space<vmem>> -> memref<1x32xf32, #tpu.memory_space<vmem>>
      %dma_start3A_174 = arith.constant 0 : i32
      %dma_start3A_175 = tpu.memref_slice %arg5[%squeeze3A_167, %dma_start3A_174] : memref<1000000x32xf32, #tpu.memory_space<hbm>> -> memref<1x32xf32, #tpu.memory_space<hbm>>
      tpu.enqueue_dma source(%dma_start3A_175 : memref<1x32xf32, #tpu.memory_space<hbm>>) target(%dma_start3A_173 : memref<1x32xf32, #tpu.memory_space<vmem>>) target_semaphore(%arg13 : memref<!tpu.dma_semaphore, #tpu.memory_space<semaphore_mem>>)
      %mul3A_176 = arith.constant 16 : i32
      %mul3A_177 = arith.muli %scan3A_45, %mul3A_176 : i32
      %add3A_178 = arith.constant 5 : i32
      %add3A_179 = arith.addi %mul3A_177, %add3A_178 : i32
      %slice3A_180 = vector.extract_strided_slice %get3A_51 {offsets = [5], sizes = [1], strides = [1]} : vector<16xi32> to vector<1xi32>
      %squeeze3A_181 = vector.extract %slice3A_180[0] : i32 from vector<1xi32>
      %dma_start3A_182 = arith.constant 0 : i32
      %dma_start3A_183 = tpu.memref_slice %arg10[%add3A_179, %dma_start3A_182] : memref<256x32xf32, #tpu.memory_space<vmem>> -> memref<1x32xf32, #tpu.memory_space<vmem>>
      %dma_start3A_184 = arith.constant 0 : i32
      %dma_start3A_185 = tpu.memref_slice %arg4[%squeeze3A_181, %dma_start3A_184] : memref<1000000x32xf32, #tpu.memory_space<hbm>> -> memref<1x32xf32, #tpu.memory_space<hbm>>
      %dma_start3A_186 = arith.constant 0 : i32
      %dma_start3A_187 = tpu.memref_slice %arg10[%add3A_179, %dma_start3A_186] : memref<256x32xf32, #tpu.memory_space<vmem>> -> memref<1x32xf32, #tpu.memory_space<vmem>>
      %dma_start3A_188 = arith.constant 0 : i32
      %dma_start3A_189 = tpu.memref_slice %arg4[%squeeze3A_181, %dma_start3A_188] : memref<1000000x32xf32, #tpu.memory_space<hbm>> -> memref<1x32xf32, #tpu.memory_space<hbm>>
      tpu.enqueue_dma source(%dma_start3A_189 : memref<1x32xf32, #tpu.memory_space<hbm>>) target(%dma_start3A_187 : memref<1x32xf32, #tpu.memory_space<vmem>>) target_semaphore(%arg12 : memref<!tpu.dma_semaphore, #tpu.memory_space<semaphore_mem>>)
      %slice3A_190 = vector.extract_strided_slice %get3A_58 {offsets = [5], sizes = [1], strides = [1]} : vector<16xi32> to vector<1xi32>
      %squeeze3A_191 = vector.extract %slice3A_190[0] : i32 from vector<1xi32>
      %dma_start3A_192 = arith.constant 0 : i32
      %dma_start3A_193 = tpu.memref_slice %arg11[%add3A_179, %dma_start3A_192] : memref<256x32xf32, #tpu.memory_space<vmem>> -> memref<1x32xf32, #tpu.memory_space<vmem>>
      %dma_start3A_194 = arith.constant 0 : i32
      %dma_start3A_195 = tpu.memref_slice %arg5[%squeeze3A_191, %dma_start3A_194] : memref<1000000x32xf32, #tpu.memory_space<hbm>> -> memref<1x32xf32, #tpu.memory_space<hbm>>
      %dma_start3A_196 = arith.constant 0 : i32
      %dma_start3A_197 = tpu.memref_slice %arg11[%add3A_179, %dma_start3A_196] : memref<256x32xf32, #tpu.memory_space<vmem>> -> memref<1x32xf32, #tpu.memory_space<vmem>>
      %dma_start3A_198 = arith.constant 0 : i32
      %dma_start3A_199 = tpu.memref_slice %arg5[%squeeze3A_191, %dma_start3A_198] : memref<1000000x32xf32, #tpu.memory_space<hbm>> -> memref<1x32xf32, #tpu.memory_space<hbm>>
      tpu.enqueue_dma source(%dma_start3A_199 : memref<1x32xf32, #tpu.memory_space<hbm>>) target(%dma_start3A_197 : memref<1x32xf32, #tpu.memory_space<vmem>>) target_semaphore(%arg13 : memref<!tpu.dma_semaphore, #tpu.memory_space<semaphore_mem>>)
      %mul3A_200 = arith.constant 16 : i32
      %mul3A_201 = arith.muli %scan3A_45, %mul3A_200 : i32
      %add3A_202 = arith.constant 6 : i32
      %add3A_203 = arith.addi %mul3A_201, %add3A_202 : i32
      %slice3A_204 = vector.extract_strided_slice %get3A_51 {offsets = [6], sizes = [1], strides = [1]} : vector<16xi32> to vector<1xi32>
      %squeeze3A_205 = vector.extract %slice3A_204[0] : i32 from vector<1xi32>
      %dma_start3A_206 = arith.constant 0 : i32
      %dma_start3A_207 = tpu.memref_slice %arg10[%add3A_203, %dma_start3A_206] : memref<256x32xf32, #tpu.memory_space<vmem>> -> memref<1x32xf32, #tpu.memory_space<vmem>>
      %dma_start3A_208 = arith.constant 0 : i32
      %dma_start3A_209 = tpu.memref_slice %arg4[%squeeze3A_205, %dma_start3A_208] : memref<1000000x32xf32, #tpu.memory_space<hbm>> -> memref<1x32xf32, #tpu.memory_space<hbm>>
      %dma_start3A_210 = arith.constant 0 : i32
      %dma_start3A_211 = tpu.memref_slice %arg10[%add3A_203, %dma_start3A_210] : memref<256x32xf32, #tpu.memory_space<vmem>> -> memref<1x32xf32, #tpu.memory_space<vmem>>
      %dma_start3A_212 = arith.constant 0 : i32
      %dma_start3A_213 = tpu.memref_slice %arg4[%squeeze3A_205, %dma_start3A_212] : memref<1000000x32xf32, #tpu.memory_space<hbm>> -> memref<1x32xf32, #tpu.memory_space<hbm>>
      tpu.enqueue_dma source(%dma_start3A_213 : memref<1x32xf32, #tpu.memory_space<hbm>>) target(%dma_start3A_211 : memref<1x32xf32, #tpu.memory_space<vmem>>) target_semaphore(%arg12 : memref<!tpu.dma_semaphore, #tpu.memory_space<semaphore_mem>>)
      %slice3A_214 = vector.extract_strided_slice %get3A_58 {offsets = [6], sizes = [1], strides = [1]} : vector<16xi32> to vector<1xi32>
      %squeeze3A_215 = vector.extract %slice3A_214[0] : i32 from vector<1xi32>
      %dma_start3A_216 = arith.constant 0 : i32
      %dma_start3A_217 = tpu.memref_slice %arg11[%add3A_203, %dma_start3A_216] : memref<256x32xf32, #tpu.memory_space<vmem>> -> memref<1x32xf32, #tpu.memory_space<vmem>>
      %dma_start3A_218 = arith.constant 0 : i32
      %dma_start3A_219 = tpu.memref_slice %arg5[%squeeze3A_215, %dma_start3A_218] : memref<1000000x32xf32, #tpu.memory_space<hbm>> -> memref<1x32xf32, #tpu.memory_space<hbm>>
      %dma_start3A_220 = arith.constant 0 : i32
      %dma_start3A_221 = tpu.memref_slice %arg11[%add3A_203, %dma_start3A_220] : memref<256x32xf32, #tpu.memory_space<vmem>> -> memref<1x32xf32, #tpu.memory_space<vmem>>
      %dma_start3A_222 = arith.constant 0 : i32
      %dma_start3A_223 = tpu.memref_slice %arg5[%squeeze3A_215, %dma_start3A_222] : memref<1000000x32xf32, #tpu.memory_space<hbm>> -> memref<1x32xf32, #tpu.memory_space<hbm>>
      tpu.enqueue_dma source(%dma_start3A_223 : memref<1x32xf32, #tpu.memory_space<hbm>>) target(%dma_start3A_221 : memref<1x32xf32, #tpu.memory_space<vmem>>) target_semaphore(%arg13 : memref<!tpu.dma_semaphore, #tpu.memory_space<semaphore_mem>>)
      %mul3A_224 = arith.constant 16 : i32
      %mul3A_225 = arith.muli %scan3A_45, %mul3A_224 : i32
      %add3A_226 = arith.constant 7 : i32
      %add3A_227 = arith.addi %mul3A_225, %add3A_226 : i32
      %slice3A_228 = vector.extract_strided_slice %get3A_51 {offsets = [7], sizes = [1], strides = [1]} : vector<16xi32> to vector<1xi32>
      %squeeze3A_229 = vector.extract %slice3A_228[0] : i32 from vector<1xi32>
      %dma_start3A_230 = arith.constant 0 : i32
      %dma_start3A_231 = tpu.memref_slice %arg10[%add3A_227, %dma_start3A_230] : memref<256x32xf32, #tpu.memory_space<vmem>> -> memref<1x32xf32, #tpu.memory_space<vmem>>
      %dma_start3A_232 = arith.constant 0 : i32
      %dma_start3A_233 = tpu.memref_slice %arg4[%squeeze3A_229, %dma_start3A_232] : memref<1000000x32xf32, #tpu.memory_space<hbm>> -> memref<1x32xf32, #tpu.memory_space<hbm>>
      %dma_start3A_234 = arith.constant 0 : i32
      %dma_start3A_235 = tpu.memref_slice %arg10[%add3A_227, %dma_start3A_234] : memref<256x32xf32, #tpu.memory_space<vmem>> -> memref<1x32xf32, #tpu.memory_space<vmem>>
      %dma_start3A_236 = arith.constant 0 : i32
      %dma_start3A_237 = tpu.memref_slice %arg4[%squeeze3A_229, %dma_start3A_236] : memref<1000000x32xf32, #tpu.memory_space<hbm>> -> memref<1x32xf32, #tpu.memory_space<hbm>>
      tpu.enqueue_dma source(%dma_start3A_237 : memref<1x32xf32, #tpu.memory_space<hbm>>) target(%dma_start3A_235 : memref<1x32xf32, #tpu.memory_space<vmem>>) target_semaphore(%arg12 : memref<!tpu.dma_semaphore, #tpu.memory_space<semaphore_mem>>)
      %slice3A_238 = vector.extract_strided_slice %get3A_58 {offsets = [7], sizes = [1], strides = [1]} : vector<16xi32> to vector<1xi32>
      %squeeze3A_239 = vector.extract %slice3A_238[0] : i32 from vector<1xi32>
      %dma_start3A_240 = arith.constant 0 : i32
      %dma_start3A_241 = tpu.memref_slice %arg11[%add3A_227, %dma_start3A_240] : memref<256x32xf32, #tpu.memory_space<vmem>> -> memref<1x32xf32, #tpu.memory_space<vmem>>
      %dma_start3A_242 = arith.constant 0 : i32
      %dma_start3A_243 = tpu.memref_slice %arg5[%squeeze3A_239, %dma_start3A_242] : memref<1000000x32xf32, #tpu.memory_space<hbm>> -> memref<1x32xf32, #tpu.memory_space<hbm>>
      %dma_start3A_244 = arith.constant 0 : i32
      %dma_start3A_245 = tpu.memref_slice %arg11[%add3A_227, %dma_start3A_244] : memref<256x32xf32, #tpu.memory_space<vmem>> -> memref<1x32xf32, #tpu.memory_space<vmem>>
      %dma_start3A_246 = arith.constant 0 : i32
      %dma_start3A_247 = tpu.memref_slice %arg5[%squeeze3A_239, %dma_start3A_246] : memref<1000000x32xf32, #tpu.memory_space<hbm>> -> memref<1x32xf32, #tpu.memory_space<hbm>>
      tpu.enqueue_dma source(%dma_start3A_247 : memref<1x32xf32, #tpu.memory_space<hbm>>) target(%dma_start3A_245 : memref<1x32xf32, #tpu.memory_space<vmem>>) target_semaphore(%arg13 : memref<!tpu.dma_semaphore, #tpu.memory_space<semaphore_mem>>)
      %mul3A_248 = arith.constant 16 : i32
      %mul3A_249 = arith.muli %scan3A_45, %mul3A_248 : i32
      %add3A_250 = arith.constant 8 : i32
      %add3A_251 = arith.addi %mul3A_249, %add3A_250 : i32
      %slice3A_252 = vector.extract_strided_slice %get3A_51 {offsets = [8], sizes = [1], strides = [1]} : vector<16xi32> to vector<1xi32>
      %squeeze3A_253 = vector.extract %slice3A_252[0] : i32 from vector<1xi32>
      %dma_start3A_254 = arith.constant 0 : i32
      %dma_start3A_255 = tpu.memref_slice %arg10[%add3A_251, %dma_start3A_254] : memref<256x32xf32, #tpu.memory_space<vmem>> -> memref<1x32xf32, #tpu.memory_space<vmem>>
      %dma_start3A_256 = arith.constant 0 : i32
      %dma_start3A_257 = tpu.memref_slice %arg4[%squeeze3A_253, %dma_start3A_256] : memref<1000000x32xf32, #tpu.memory_space<hbm>> -> memref<1x32xf32, #tpu.memory_space<hbm>>
      %dma_start3A_258 = arith.constant 0 : i32
      %dma_start3A_259 = tpu.memref_slice %arg10[%add3A_251, %dma_start3A_258] : memref<256x32xf32, #tpu.memory_space<vmem>> -> memref<1x32xf32, #tpu.memory_space<vmem>>
      %dma_start3A_260 = arith.constant 0 : i32
      %dma_start3A_261 = tpu.memref_slice %arg4[%squeeze3A_253, %dma_start3A_260] : memref<1000000x32xf32, #tpu.memory_space<hbm>> -> memref<1x32xf32, #tpu.memory_space<hbm>>
      tpu.enqueue_dma source(%dma_start3A_261 : memref<1x32xf32, #tpu.memory_space<hbm>>) target(%dma_start3A_259 : memref<1x32xf32, #tpu.memory_space<vmem>>) target_semaphore(%arg12 : memref<!tpu.dma_semaphore, #tpu.memory_space<semaphore_mem>>)
      %slice3A_262 = vector.extract_strided_slice %get3A_58 {offsets = [8], sizes = [1], strides = [1]} : vector<16xi32> to vector<1xi32>
      %squeeze3A_263 = vector.extract %slice3A_262[0] : i32 from vector<1xi32>
      %dma_start3A_264 = arith.constant 0 : i32
      %dma_start3A_265 = tpu.memref_slice %arg11[%add3A_251, %dma_start3A_264] : memref<256x32xf32, #tpu.memory_space<vmem>> -> memref<1x32xf32, #tpu.memory_space<vmem>>
      %dma_start3A_266 = arith.constant 0 : i32
      %dma_start3A_267 = tpu.memref_slice %arg5[%squeeze3A_263, %dma_start3A_266] : memref<1000000x32xf32, #tpu.memory_space<hbm>> -> memref<1x32xf32, #tpu.memory_space<hbm>>
      %dma_start3A_268 = arith.constant 0 : i32
      %dma_start3A_269 = tpu.memref_slice %arg11[%add3A_251, %dma_start3A_268] : memref<256x32xf32, #tpu.memory_space<vmem>> -> memref<1x32xf32, #tpu.memory_space<vmem>>
      %dma_start3A_270 = arith.constant 0 : i32
      %dma_start3A_271 = tpu.memref_slice %arg5[%squeeze3A_263, %dma_start3A_270] : memref<1000000x32xf32, #tpu.memory_space<hbm>> -> memref<1x32xf32, #tpu.memory_space<hbm>>
      tpu.enqueue_dma source(%dma_start3A_271 : memref<1x32xf32, #tpu.memory_space<hbm>>) target(%dma_start3A_269 : memref<1x32xf32, #tpu.memory_space<vmem>>) target_semaphore(%arg13 : memref<!tpu.dma_semaphore, #tpu.memory_space<semaphore_mem>>)
      %mul3A_272 = arith.constant 16 : i32
      %mul3A_273 = arith.muli %scan3A_45, %mul3A_272 : i32
      %add3A_274 = arith.constant 9 : i32
      %add3A_275 = arith.addi %mul3A_273, %add3A_274 : i32
      %slice3A_276 = vector.extract_strided_slice %get3A_51 {offsets = [9], sizes = [1], strides = [1]} : vector<16xi32> to vector<1xi32>
      %squeeze3A_277 = vector.extract %slice3A_276[0] : i32 from vector<1xi32>
      %dma_start3A_278 = arith.constant 0 : i32
      %dma_start3A_279 = tpu.memref_slice %arg10[%add3A_275, %dma_start3A_278] : memref<256x32xf32, #tpu.memory_space<vmem>> -> memref<1x32xf32, #tpu.memory_space<vmem>>
      %dma_start3A_280 = arith.constant 0 : i32
      %dma_start3A_281 = tpu.memref_slice %arg4[%squeeze3A_277, %dma_start3A_280] : memref<1000000x32xf32, #tpu.memory_space<hbm>> -> memref<1x32xf32, #tpu.memory_space<hbm>>
      %dma_start3A_282 = arith.constant 0 : i32
      %dma_start3A_283 = tpu.memref_slice %arg10[%add3A_275, %dma_start3A_282] : memref<256x32xf32, #tpu.memory_space<vmem>> -> memref<1x32xf32, #tpu.memory_space<vmem>>
      %dma_start3A_284 = arith.constant 0 : i32
      %dma_start3A_285 = tpu.memref_slice %arg4[%squeeze3A_277, %dma_start3A_284] : memref<1000000x32xf32, #tpu.memory_space<hbm>> -> memref<1x32xf32, #tpu.memory_space<hbm>>
      tpu.enqueue_dma source(%dma_start3A_285 : memref<1x32xf32, #tpu.memory_space<hbm>>) target(%dma_start3A_283 : memref<1x32xf32, #tpu.memory_space<vmem>>) target_semaphore(%arg12 : memref<!tpu.dma_semaphore, #tpu.memory_space<semaphore_mem>>)
      %slice3A_286 = vector.extract_strided_slice %get3A_58 {offsets = [9], sizes = [1], strides = [1]} : vector<16xi32> to vector<1xi32>
      %squeeze3A_287 = vector.extract %slice3A_286[0] : i32 from vector<1xi32>
      %dma_start3A_288 = arith.constant 0 : i32
      %dma_start3A_289 = tpu.memref_slice %arg11[%add3A_275, %dma_start3A_288] : memref<256x32xf32, #tpu.memory_space<vmem>> -> memref<1x32xf32, #tpu.memory_space<vmem>>
      %dma_start3A_290 = arith.constant 0 : i32
      %dma_start3A_291 = tpu.memref_slice %arg5[%squeeze3A_287, %dma_start3A_290] : memref<1000000x32xf32, #tpu.memory_space<hbm>> -> memref<1x32xf32, #tpu.memory_space<hbm>>
      %dma_start3A_292 = arith.constant 0 : i32
      %dma_start3A_293 = tpu.memref_slice %arg11[%add3A_275, %dma_start3A_292] : memref<256x32xf32, #tpu.memory_space<vmem>> -> memref<1x32xf32, #tpu.memory_space<vmem>>
      %dma_start3A_294 = arith.constant 0 : i32
      %dma_start3A_295 = tpu.memref_slice %arg5[%squeeze3A_287, %dma_start3A_294] : memref<1000000x32xf32, #tpu.memory_space<hbm>> -> memref<1x32xf32, #tpu.memory_space<hbm>>
      tpu.enqueue_dma source(%dma_start3A_295 : memref<1x32xf32, #tpu.memory_space<hbm>>) target(%dma_start3A_293 : memref<1x32xf32, #tpu.memory_space<vmem>>) target_semaphore(%arg13 : memref<!tpu.dma_semaphore, #tpu.memory_space<semaphore_mem>>)
      %mul3A_296 = arith.constant 16 : i32
      %mul3A_297 = arith.muli %scan3A_45, %mul3A_296 : i32
      %add3A_298 = arith.constant 10 : i32
      %add3A_299 = arith.addi %mul3A_297, %add3A_298 : i32
      %slice3A_300 = vector.extract_strided_slice %get3A_51 {offsets = [10], sizes = [1], strides = [1]} : vector<16xi32> to vector<1xi32>
      %squeeze3A_301 = vector.extract %slice3A_300[0] : i32 from vector<1xi32>
      %dma_start3A_302 = arith.constant 0 : i32
      %dma_start3A_303 = tpu.memref_slice %arg10[%add3A_299, %dma_start3A_302] : memref<256x32xf32, #tpu.memory_space<vmem>> -> memref<1x32xf32, #tpu.memory_space<vmem>>
      %dma_start3A_304 = arith.constant 0 : i32
      %dma_start3A_305 = tpu.memref_slice %arg4[%squeeze3A_301, %dma_start3A_304] : memref<1000000x32xf32, #tpu.memory_space<hbm>> -> memref<1x32xf32, #tpu.memory_space<hbm>>
      %dma_start3A_306 = arith.constant 0 : i32
      %dma_start3A_307 = tpu.memref_slice %arg10[%add3A_299, %dma_start3A_306] : memref<256x32xf32, #tpu.memory_space<vmem>> -> memref<1x32xf32, #tpu.memory_space<vmem>>
      %dma_start3A_308 = arith.constant 0 : i32
      %dma_start3A_309 = tpu.memref_slice %arg4[%squeeze3A_301, %dma_start3A_308] : memref<1000000x32xf32, #tpu.memory_space<hbm>> -> memref<1x32xf32, #tpu.memory_space<hbm>>
      tpu.enqueue_dma source(%dma_start3A_309 : memref<1x32xf32, #tpu.memory_space<hbm>>) target(%dma_start3A_307 : memref<1x32xf32, #tpu.memory_space<vmem>>) target_semaphore(%arg12 : memref<!tpu.dma_semaphore, #tpu.memory_space<semaphore_mem>>)
      %slice3A_310 = vector.extract_strided_slice %get3A_58 {offsets = [10], sizes = [1], strides = [1]} : vector<16xi32> to vector<1xi32>
      %squeeze3A_311 = vector.extract %slice3A_310[0] : i32 from vector<1xi32>
      %dma_start3A_312 = arith.constant 0 : i32
      %dma_start3A_313 = tpu.memref_slice %arg11[%add3A_299, %dma_start3A_312] : memref<256x32xf32, #tpu.memory_space<vmem>> -> memref<1x32xf32, #tpu.memory_space<vmem>>
      %dma_start3A_314 = arith.constant 0 : i32
      %dma_start3A_315 = tpu.memref_slice %arg5[%squeeze3A_311, %dma_start3A_314] : memref<1000000x32xf32, #tpu.memory_space<hbm>> -> memref<1x32xf32, #tpu.memory_space<hbm>>
      %dma_start3A_316 = arith.constant 0 : i32
      %dma_start3A_317 = tpu.memref_slice %arg11[%add3A_299, %dma_start3A_316] : memref<256x32xf32, #tpu.memory_space<vmem>> -> memref<1x32xf32, #tpu.memory_space<vmem>>
      %dma_start3A_318 = arith.constant 0 : i32
      %dma_start3A_319 = tpu.memref_slice %arg5[%squeeze3A_311, %dma_start3A_318] : memref<1000000x32xf32, #tpu.memory_space<hbm>> -> memref<1x32xf32, #tpu.memory_space<hbm>>
      tpu.enqueue_dma source(%dma_start3A_319 : memref<1x32xf32, #tpu.memory_space<hbm>>) target(%dma_start3A_317 : memref<1x32xf32, #tpu.memory_space<vmem>>) target_semaphore(%arg13 : memref<!tpu.dma_semaphore, #tpu.memory_space<semaphore_mem>>)
      %mul3A_320 = arith.constant 16 : i32
      %mul3A_321 = arith.muli %scan3A_45, %mul3A_320 : i32
      %add3A_322 = arith.constant 11 : i32
      %add3A_323 = arith.addi %mul3A_321, %add3A_322 : i32
      %slice3A_324 = vector.extract_strided_slice %get3A_51 {offsets = [11], sizes = [1], strides = [1]} : vector<16xi32> to vector<1xi32>
      %squeeze3A_325 = vector.extract %slice3A_324[0] : i32 from vector<1xi32>
      %dma_start3A_326 = arith.constant 0 : i32
      %dma_start3A_327 = tpu.memref_slice %arg10[%add3A_323, %dma_start3A_326] : memref<256x32xf32, #tpu.memory_space<vmem>> -> memref<1x32xf32, #tpu.memory_space<vmem>>
      %dma_start3A_328 = arith.constant 0 : i32
      %dma_start3A_329 = tpu.memref_slice %arg4[%squeeze3A_325, %dma_start3A_328] : memref<1000000x32xf32, #tpu.memory_space<hbm>> -> memref<1x32xf32, #tpu.memory_space<hbm>>
      %dma_start3A_330 = arith.constant 0 : i32
      %dma_start3A_331 = tpu.memref_slice %arg10[%add3A_323, %dma_start3A_330] : memref<256x32xf32, #tpu.memory_space<vmem>> -> memref<1x32xf32, #tpu.memory_space<vmem>>
      %dma_start3A_332 = arith.constant 0 : i32
      %dma_start3A_333 = tpu.memref_slice %arg4[%squeeze3A_325, %dma_start3A_332] : memref<1000000x32xf32, #tpu.memory_space<hbm>> -> memref<1x32xf32, #tpu.memory_space<hbm>>
      tpu.enqueue_dma source(%dma_start3A_333 : memref<1x32xf32, #tpu.memory_space<hbm>>) target(%dma_start3A_331 : memref<1x32xf32, #tpu.memory_space<vmem>>) target_semaphore(%arg12 : memref<!tpu.dma_semaphore, #tpu.memory_space<semaphore_mem>>)
      %slice3A_334 = vector.extract_strided_slice %get3A_58 {offsets = [11], sizes = [1], strides = [1]} : vector<16xi32> to vector<1xi32>
      %squeeze3A_335 = vector.extract %slice3A_334[0] : i32 from vector<1xi32>
      %dma_start3A_336 = arith.constant 0 : i32
      %dma_start3A_337 = tpu.memref_slice %arg11[%add3A_323, %dma_start3A_336] : memref<256x32xf32, #tpu.memory_space<vmem>> -> memref<1x32xf32, #tpu.memory_space<vmem>>
      %dma_start3A_338 = arith.constant 0 : i32
      %dma_start3A_339 = tpu.memref_slice %arg5[%squeeze3A_335, %dma_start3A_338] : memref<1000000x32xf32, #tpu.memory_space<hbm>> -> memref<1x32xf32, #tpu.memory_space<hbm>>
      %dma_start3A_340 = arith.constant 0 : i32
      %dma_start3A_341 = tpu.memref_slice %arg11[%add3A_323, %dma_start3A_340] : memref<256x32xf32, #tpu.memory_space<vmem>> -> memref<1x32xf32, #tpu.memory_space<vmem>>
      %dma_start3A_342 = arith.constant 0 : i32
      %dma_start3A_343 = tpu.memref_slice %arg5[%squeeze3A_335, %dma_start3A_342] : memref<1000000x32xf32, #tpu.memory_space<hbm>> -> memref<1x32xf32, #tpu.memory_space<hbm>>
      tpu.enqueue_dma source(%dma_start3A_343 : memref<1x32xf32, #tpu.memory_space<hbm>>) target(%dma_start3A_341 : memref<1x32xf32, #tpu.memory_space<vmem>>) target_semaphore(%arg13 : memref<!tpu.dma_semaphore, #tpu.memory_space<semaphore_mem>>)
      %mul3A_344 = arith.constant 16 : i32
      %mul3A_345 = arith.muli %scan3A_45, %mul3A_344 : i32
      %add3A_346 = arith.constant 12 : i32
      %add3A_347 = arith.addi %mul3A_345, %add3A_346 : i32
      %slice3A_348 = vector.extract_strided_slice %get3A_51 {offsets = [12], sizes = [1], strides = [1]} : vector<16xi32> to vector<1xi32>
      %squeeze3A_349 = vector.extract %slice3A_348[0] : i32 from vector<1xi32>
      %dma_start3A_350 = arith.constant 0 : i32
      %dma_start3A_351 = tpu.memref_slice %arg10[%add3A_347, %dma_start3A_350] : memref<256x32xf32, #tpu.memory_space<vmem>> -> memref<1x32xf32, #tpu.memory_space<vmem>>
      %dma_start3A_352 = arith.constant 0 : i32
      %dma_start3A_353 = tpu.memref_slice %arg4[%squeeze3A_349, %dma_start3A_352] : memref<1000000x32xf32, #tpu.memory_space<hbm>> -> memref<1x32xf32, #tpu.memory_space<hbm>>
      %dma_start3A_354 = arith.constant 0 : i32
      %dma_start3A_355 = tpu.memref_slice %arg10[%add3A_347, %dma_start3A_354] : memref<256x32xf32, #tpu.memory_space<vmem>> -> memref<1x32xf32, #tpu.memory_space<vmem>>
      %dma_start3A_356 = arith.constant 0 : i32
      %dma_start3A_357 = tpu.memref_slice %arg4[%squeeze3A_349, %dma_start3A_356] : memref<1000000x32xf32, #tpu.memory_space<hbm>> -> memref<1x32xf32, #tpu.memory_space<hbm>>
      tpu.enqueue_dma source(%dma_start3A_357 : memref<1x32xf32, #tpu.memory_space<hbm>>) target(%dma_start3A_355 : memref<1x32xf32, #tpu.memory_space<vmem>>) target_semaphore(%arg12 : memref<!tpu.dma_semaphore, #tpu.memory_space<semaphore_mem>>)
      %slice3A_358 = vector.extract_strided_slice %get3A_58 {offsets = [12], sizes = [1], strides = [1]} : vector<16xi32> to vector<1xi32>
      %squeeze3A_359 = vector.extract %slice3A_358[0] : i32 from vector<1xi32>
      %dma_start3A_360 = arith.constant 0 : i32
      %dma_start3A_361 = tpu.memref_slice %arg11[%add3A_347, %dma_start3A_360] : memref<256x32xf32, #tpu.memory_space<vmem>> -> memref<1x32xf32, #tpu.memory_space<vmem>>
      %dma_start3A_362 = arith.constant 0 : i32
      %dma_start3A_363 = tpu.memref_slice %arg5[%squeeze3A_359, %dma_start3A_362] : memref<1000000x32xf32, #tpu.memory_space<hbm>> -> memref<1x32xf32, #tpu.memory_space<hbm>>
      %dma_start3A_364 = arith.constant 0 : i32
      %dma_start3A_365 = tpu.memref_slice %arg11[%add3A_347, %dma_start3A_364] : memref<256x32xf32, #tpu.memory_space<vmem>> -> memref<1x32xf32, #tpu.memory_space<vmem>>
      %dma_start3A_366 = arith.constant 0 : i32
      %dma_start3A_367 = tpu.memref_slice %arg5[%squeeze3A_359, %dma_start3A_366] : memref<1000000x32xf32, #tpu.memory_space<hbm>> -> memref<1x32xf32, #tpu.memory_space<hbm>>
      tpu.enqueue_dma source(%dma_start3A_367 : memref<1x32xf32, #tpu.memory_space<hbm>>) target(%dma_start3A_365 : memref<1x32xf32, #tpu.memory_space<vmem>>) target_semaphore(%arg13 : memref<!tpu.dma_semaphore, #tpu.memory_space<semaphore_mem>>)
      %mul3A_368 = arith.constant 16 : i32
      %mul3A_369 = arith.muli %scan3A_45, %mul3A_368 : i32
      %add3A_370 = arith.constant 13 : i32
      %add3A_371 = arith.addi %mul3A_369, %add3A_370 : i32
      %slice3A_372 = vector.extract_strided_slice %get3A_51 {offsets = [13], sizes = [1], strides = [1]} : vector<16xi32> to vector<1xi32>
      %squeeze3A_373 = vector.extract %slice3A_372[0] : i32 from vector<1xi32>
      %dma_start3A_374 = arith.constant 0 : i32
      %dma_start3A_375 = tpu.memref_slice %arg10[%add3A_371, %dma_start3A_374] : memref<256x32xf32, #tpu.memory_space<vmem>> -> memref<1x32xf32, #tpu.memory_space<vmem>>
      %dma_start3A_376 = arith.constant 0 : i32
      %dma_start3A_377 = tpu.memref_slice %arg4[%squeeze3A_373, %dma_start3A_376] : memref<1000000x32xf32, #tpu.memory_space<hbm>> -> memref<1x32xf32, #tpu.memory_space<hbm>>
      %dma_start3A_378 = arith.constant 0 : i32
      %dma_start3A_379 = tpu.memref_slice %arg10[%add3A_371, %dma_start3A_378] : memref<256x32xf32, #tpu.memory_space<vmem>> -> memref<1x32xf32, #tpu.memory_space<vmem>>
      %dma_start3A_380 = arith.constant 0 : i32
      %dma_start3A_381 = tpu.memref_slice %arg4[%squeeze3A_373, %dma_start3A_380] : memref<1000000x32xf32, #tpu.memory_space<hbm>> -> memref<1x32xf32, #tpu.memory_space<hbm>>
      tpu.enqueue_dma source(%dma_start3A_381 : memref<1x32xf32, #tpu.memory_space<hbm>>) target(%dma_start3A_379 : memref<1x32xf32, #tpu.memory_space<vmem>>) target_semaphore(%arg12 : memref<!tpu.dma_semaphore, #tpu.memory_space<semaphore_mem>>)
      %slice3A_382 = vector.extract_strided_slice %get3A_58 {offsets = [13], sizes = [1], strides = [1]} : vector<16xi32> to vector<1xi32>
      %squeeze3A_383 = vector.extract %slice3A_382[0] : i32 from vector<1xi32>
      %dma_start3A_384 = arith.constant 0 : i32
      %dma_start3A_385 = tpu.memref_slice %arg11[%add3A_371, %dma_start3A_384] : memref<256x32xf32, #tpu.memory_space<vmem>> -> memref<1x32xf32, #tpu.memory_space<vmem>>
      %dma_start3A_386 = arith.constant 0 : i32
      %dma_start3A_387 = tpu.memref_slice %arg5[%squeeze3A_383, %dma_start3A_386] : memref<1000000x32xf32, #tpu.memory_space<hbm>> -> memref<1x32xf32, #tpu.memory_space<hbm>>
      %dma_start3A_388 = arith.constant 0 : i32
      %dma_start3A_389 = tpu.memref_slice %arg11[%add3A_371, %dma_start3A_388] : memref<256x32xf32, #tpu.memory_space<vmem>> -> memref<1x32xf32, #tpu.memory_space<vmem>>
      %dma_start3A_390 = arith.constant 0 : i32
      %dma_start3A_391 = tpu.memref_slice %arg5[%squeeze3A_383, %dma_start3A_390] : memref<1000000x32xf32, #tpu.memory_space<hbm>> -> memref<1x32xf32, #tpu.memory_space<hbm>>
      tpu.enqueue_dma source(%dma_start3A_391 : memref<1x32xf32, #tpu.memory_space<hbm>>) target(%dma_start3A_389 : memref<1x32xf32, #tpu.memory_space<vmem>>) target_semaphore(%arg13 : memref<!tpu.dma_semaphore, #tpu.memory_space<semaphore_mem>>)
      %mul3A_392 = arith.constant 16 : i32
      %mul3A_393 = arith.muli %scan3A_45, %mul3A_392 : i32
      %add3A_394 = arith.constant 14 : i32
      %add3A_395 = arith.addi %mul3A_393, %add3A_394 : i32
      %slice3A_396 = vector.extract_strided_slice %get3A_51 {offsets = [14], sizes = [1], strides = [1]} : vector<16xi32> to vector<1xi32>
      %squeeze3A_397 = vector.extract %slice3A_396[0] : i32 from vector<1xi32>
      %dma_start3A_398 = arith.constant 0 : i32
      %dma_start3A_399 = tpu.memref_slice %arg10[%add3A_395, %dma_start3A_398] : memref<256x32xf32, #tpu.memory_space<vmem>> -> memref<1x32xf32, #tpu.memory_space<vmem>>
      %dma_start3A_400 = arith.constant 0 : i32
      %dma_start3A_401 = tpu.memref_slice %arg4[%squeeze3A_397, %dma_start3A_400] : memref<1000000x32xf32, #tpu.memory_space<hbm>> -> memref<1x32xf32, #tpu.memory_space<hbm>>
      %dma_start3A_402 = arith.constant 0 : i32
      %dma_start3A_403 = tpu.memref_slice %arg10[%add3A_395, %dma_start3A_402] : memref<256x32xf32, #tpu.memory_space<vmem>> -> memref<1x32xf32, #tpu.memory_space<vmem>>
      %dma_start3A_404 = arith.constant 0 : i32
      %dma_start3A_405 = tpu.memref_slice %arg4[%squeeze3A_397, %dma_start3A_404] : memref<1000000x32xf32, #tpu.memory_space<hbm>> -> memref<1x32xf32, #tpu.memory_space<hbm>>
      tpu.enqueue_dma source(%dma_start3A_405 : memref<1x32xf32, #tpu.memory_space<hbm>>) target(%dma_start3A_403 : memref<1x32xf32, #tpu.memory_space<vmem>>) target_semaphore(%arg12 : memref<!tpu.dma_semaphore, #tpu.memory_space<semaphore_mem>>)
      %slice3A_406 = vector.extract_strided_slice %get3A_58 {offsets = [14], sizes = [1], strides = [1]} : vector<16xi32> to vector<1xi32>
      %squeeze3A_407 = vector.extract %slice3A_406[0] : i32 from vector<1xi32>
      %dma_start3A_408 = arith.constant 0 : i32
      %dma_start3A_409 = tpu.memref_slice %arg11[%add3A_395, %dma_start3A_408] : memref<256x32xf32, #tpu.memory_space<vmem>> -> memref<1x32xf32, #tpu.memory_space<vmem>>
      %dma_start3A_410 = arith.constant 0 : i32
      %dma_start3A_411 = tpu.memref_slice %arg5[%squeeze3A_407, %dma_start3A_410] : memref<1000000x32xf32, #tpu.memory_space<hbm>> -> memref<1x32xf32, #tpu.memory_space<hbm>>
      %dma_start3A_412 = arith.constant 0 : i32
      %dma_start3A_413 = tpu.memref_slice %arg11[%add3A_395, %dma_start3A_412] : memref<256x32xf32, #tpu.memory_space<vmem>> -> memref<1x32xf32, #tpu.memory_space<vmem>>
      %dma_start3A_414 = arith.constant 0 : i32
      %dma_start3A_415 = tpu.memref_slice %arg5[%squeeze3A_407, %dma_start3A_414] : memref<1000000x32xf32, #tpu.memory_space<hbm>> -> memref<1x32xf32, #tpu.memory_space<hbm>>
      tpu.enqueue_dma source(%dma_start3A_415 : memref<1x32xf32, #tpu.memory_space<hbm>>) target(%dma_start3A_413 : memref<1x32xf32, #tpu.memory_space<vmem>>) target_semaphore(%arg13 : memref<!tpu.dma_semaphore, #tpu.memory_space<semaphore_mem>>)
      %mul3A_416 = arith.constant 16 : i32
      %mul3A_417 = arith.muli %scan3A_45, %mul3A_416 : i32
      %add3A_418 = arith.constant 15 : i32
      %add3A_419 = arith.addi %mul3A_417, %add3A_418 : i32
      %slice3A_420 = vector.extract_strided_slice %get3A_51 {offsets = [15], sizes = [1], strides = [1]} : vector<16xi32> to vector<1xi32>
      %squeeze3A_421 = vector.extract %slice3A_420[0] : i32 from vector<1xi32>
      %dma_start3A_422 = arith.constant 0 : i32
      %dma_start3A_423 = tpu.memref_slice %arg10[%add3A_419, %dma_start3A_422] : memref<256x32xf32, #tpu.memory_space<vmem>> -> memref<1x32xf32, #tpu.memory_space<vmem>>
      %dma_start3A_424 = arith.constant 0 : i32
      %dma_start3A_425 = tpu.memref_slice %arg4[%squeeze3A_421, %dma_start3A_424] : memref<1000000x32xf32, #tpu.memory_space<hbm>> -> memref<1x32xf32, #tpu.memory_space<hbm>>
      %dma_start3A_426 = arith.constant 0 : i32
      %dma_start3A_427 = tpu.memref_slice %arg10[%add3A_419, %dma_start3A_426] : memref<256x32xf32, #tpu.memory_space<vmem>> -> memref<1x32xf32, #tpu.memory_space<vmem>>
      %dma_start3A_428 = arith.constant 0 : i32
      %dma_start3A_429 = tpu.memref_slice %arg4[%squeeze3A_421, %dma_start3A_428] : memref<1000000x32xf32, #tpu.memory_space<hbm>> -> memref<1x32xf32, #tpu.memory_space<hbm>>
      tpu.enqueue_dma source(%dma_start3A_429 : memref<1x32xf32, #tpu.memory_space<hbm>>) target(%dma_start3A_427 : memref<1x32xf32, #tpu.memory_space<vmem>>) target_semaphore(%arg12 : memref<!tpu.dma_semaphore, #tpu.memory_space<semaphore_mem>>)
      %slice3A_430 = vector.extract_strided_slice %get3A_58 {offsets = [15], sizes = [1], strides = [1]} : vector<16xi32> to vector<1xi32>
      %squeeze3A_431 = vector.extract %slice3A_430[0] : i32 from vector<1xi32>
      %dma_start3A_432 = arith.constant 0 : i32
      %dma_start3A_433 = tpu.memref_slice %arg11[%add3A_419, %dma_start3A_432] : memref<256x32xf32, #tpu.memory_space<vmem>> -> memref<1x32xf32, #tpu.memory_space<vmem>>
      %dma_start3A_434 = arith.constant 0 : i32
      %dma_start3A_435 = tpu.memref_slice %arg5[%squeeze3A_431, %dma_start3A_434] : memref<1000000x32xf32, #tpu.memory_space<hbm>> -> memref<1x32xf32, #tpu.memory_space<hbm>>
      %dma_start3A_436 = arith.constant 0 : i32
      %dma_start3A_437 = tpu.memref_slice %arg11[%add3A_419, %dma_start3A_436] : memref<256x32xf32, #tpu.memory_space<vmem>> -> memref<1x32xf32, #tpu.memory_space<vmem>>
      %dma_start3A_438 = arith.constant 0 : i32
      %dma_start3A_439 = tpu.memref_slice %arg5[%squeeze3A_431, %dma_start3A_438] : memref<1000000x32xf32, #tpu.memory_space<hbm>> -> memref<1x32xf32, #tpu.memory_space<hbm>>
      tpu.enqueue_dma source(%dma_start3A_439 : memref<1x32xf32, #tpu.memory_space<hbm>>) target(%dma_start3A_437 : memref<1x32xf32, #tpu.memory_space<vmem>>) target_semaphore(%arg13 : memref<!tpu.dma_semaphore, #tpu.memory_space<semaphore_mem>>)
    }
    %scan3A_7 = arith.constant 16 : i32
    %dma_wait3A = arith.constant 0 : i32
    %dma_wait3A_8 = arith.constant 0 : i32
    %dma_wait3A_9 = tpu.memref_slice %arg4[%dma_wait3A, %dma_wait3A_8] : memref<1000000x32xf32, #tpu.memory_space<hbm>> -> memref<256x32xf32, #tpu.memory_space<hbm>>
    %dma_wait3A_10 = arith.constant 0 : i32
    %dma_wait3A_11 = arith.constant 0 : i32
    %dma_wait3A_12 = tpu.memref_slice %arg4[%dma_wait3A_10, %dma_wait3A_11] : memref<1000000x32xf32, #tpu.memory_space<hbm>> -> memref<256x32xf32, #tpu.memory_space<hbm>>
    tpu.wait_dma2 semaphore(%arg12 : memref<!tpu.dma_semaphore, #tpu.memory_space<semaphore_mem>>) src(%dma_wait3A_12 : memref<256x32xf32, #tpu.memory_space<hbm>>) dst(%arg10 : memref<256x32xf32, #tpu.memory_space<vmem>>)
    %add3A_13 = arith.constant 0 : i32
    %add3A_14 = arith.addi %mul3A_2, %add3A_13 : i32
    "tpu.region"() ({
      %run_scoped3A = tpu.sem_alloc : memref<!tpu.dma_semaphore, #tpu.memory_space<semaphore_mem>>
      %dma_start3A = arith.constant 0 : i32
      %dma_start3A_45 = tpu.memref_slice %arg6[%add3A_14, %dma_start3A] : memref<16384x32xf32, #tpu.memory_space<hbm>> -> memref<256x32xf32, #tpu.memory_space<hbm>>
      %dma_start3A_46 = arith.constant 0 : i32
      %dma_start3A_47 = tpu.memref_slice %arg6[%add3A_14, %dma_start3A_46] : memref<16384x32xf32, #tpu.memory_space<hbm>> -> memref<256x32xf32, #tpu.memory_space<hbm>>
      tpu.enqueue_dma source(%arg10 : memref<256x32xf32, #tpu.memory_space<vmem>>) target(%dma_start3A_47 : memref<256x32xf32, #tpu.memory_space<hbm>>) target_semaphore(%run_scoped3A : memref<!tpu.dma_semaphore, #tpu.memory_space<semaphore_mem>>)
      %dma_wait3A_48 = arith.constant 0 : i32
      %dma_wait3A_49 = tpu.memref_slice %arg6[%add3A_14, %dma_wait3A_48] : memref<16384x32xf32, #tpu.memory_space<hbm>> -> memref<256x32xf32, #tpu.memory_space<hbm>>
      %dma_wait3A_50 = arith.constant 0 : i32
      %dma_wait3A_51 = tpu.memref_slice %arg6[%add3A_14, %dma_wait3A_50] : memref<16384x32xf32, #tpu.memory_space<hbm>> -> memref<256x32xf32, #tpu.memory_space<hbm>>
      tpu.wait_dma2 semaphore(%run_scoped3A : memref<!tpu.dma_semaphore, #tpu.memory_space<semaphore_mem>>) src(%arg10 : memref<256x32xf32, #tpu.memory_space<vmem>>) dst(%dma_wait3A_51 : memref<256x32xf32, #tpu.memory_space<hbm>>)
      tpu.yield
    }) : () -> ()
    %dma_wait3A_15 = arith.constant 0 : i32
    %dma_wait3A_16 = arith.constant 0 : i32
    %dma_wait3A_17 = tpu.memref_slice %arg5[%dma_wait3A_15, %dma_wait3A_16] : memref<1000000x32xf32, #tpu.memory_space<hbm>> -> memref<256x32xf32, #tpu.memory_space<hbm>>
    %dma_wait3A_18 = arith.constant 0 : i32
    %dma_wait3A_19 = arith.constant 0 : i32
    %dma_wait3A_20 = tpu.memref_slice %arg5[%dma_wait3A_18, %dma_wait3A_19] : memref<1000000x32xf32, #tpu.memory_space<hbm>> -> memref<256x32xf32, #tpu.memory_space<hbm>>
    tpu.wait_dma2 semaphore(%arg13 : memref<!tpu.dma_semaphore, #tpu.memory_space<semaphore_mem>>) src(%dma_wait3A_20 : memref<256x32xf32, #tpu.memory_space<hbm>>) dst(%arg11 : memref<256x32xf32, #tpu.memory_space<vmem>>)
    %add3A_21 = arith.constant 0 : i32
    %add3A_22 = arith.addi %mul3A_2, %add3A_21 : i32
    "tpu.region"() ({
      %run_scoped3A = tpu.sem_alloc : memref<!tpu.dma_semaphore, #tpu.memory_space<semaphore_mem>>
      %dma_start3A = arith.constant 0 : i32
      %dma_start3A_45 = tpu.memref_slice %arg7[%add3A_22, %dma_start3A] : memref<16384x32xf32, #tpu.memory_space<hbm>> -> memref<256x32xf32, #tpu.memory_space<hbm>>
      %dma_start3A_46 = arith.constant 0 : i32
      %dma_start3A_47 = tpu.memref_slice %arg7[%add3A_22, %dma_start3A_46] : memref<16384x32xf32, #tpu.memory_space<hbm>> -> memref<256x32xf32, #tpu.memory_space<hbm>>
      tpu.enqueue_dma source(%arg11 : memref<256x32xf32, #tpu.memory_space<vmem>>) target(%dma_start3A_47 : memref<256x32xf32, #tpu.memory_space<hbm>>) target_semaphore(%run_scoped3A : memref<!tpu.dma_semaphore, #tpu.memory_space<semaphore_mem>>)
      %dma_wait3A_48 = arith.constant 0 : i32
      %dma_wait3A_49 = tpu.memref_slice %arg7[%add3A_22, %dma_wait3A_48] : memref<16384x32xf32, #tpu.memory_space<hbm>> -> memref<256x32xf32, #tpu.memory_space<hbm>>
      %dma_wait3A_50 = arith.constant 0 : i32
      %dma_wait3A_51 = tpu.memref_slice %arg7[%add3A_22, %dma_wait3A_50] : memref<16384x32xf32, #tpu.memory_space<hbm>> -> memref<256x32xf32, #tpu.memory_space<hbm>>
      tpu.wait_dma2 semaphore(%run_scoped3A : memref<!tpu.dma_semaphore, #tpu.memory_space<semaphore_mem>>) src(%arg11 : memref<256x32xf32, #tpu.memory_space<vmem>>) dst(%dma_wait3A_51 : memref<256x32xf32, #tpu.memory_space<hbm>>)
      tpu.yield
    }) : () -> ()
    %scan3A_23 = arith.constant 0 : i32
    %scan3A_24 = arith.constant 0 : i32
    %scan3A_25 = arith.constant 16 : i32
    %scan3A_26 = arith.addi %scan3A_24, %scan3A_25 : i32
    %scan3A_27 = arith.constant 1 : i32
    scf.for %scan3A_45 = %scan3A_24 to %scan3A_26 step %scan3A_27  : i32 {
      %mul3A_46 = arith.constant 16 : i32
      %mul3A_47 = arith.muli %scan3A_45, %mul3A_46 : i32
      %add3A_48 = arith.constant 256 : i32
      %add3A_49 = arith.addi %add3A_48, %mul3A_47 : i32
      %get3A = arith.index_cast %add3A_49 : i32 to index
      %get3A_50 = tpu.vector_load %arg8[%get3A] {strides = array<i32>} : memref<512xi32, #tpu.memory_space<vmem>>, vector<16xi32>,
      %get3A_51 = vector.shape_cast %get3A_50 : vector<16xi32> to vector<16xi32>
      %mul3A_52 = arith.constant 16 : i32
      %mul3A_53 = arith.muli %scan3A_45, %mul3A_52 : i32
      %add3A_54 = arith.constant 256 : i32
      %add3A_55 = arith.addi %add3A_54, %mul3A_53 : i32
      %get3A_56 = arith.index_cast %add3A_55 : i32 to index
      %get3A_57 = tpu.vector_load %arg9[%get3A_56] {strides = array<i32>} : memref<512xi32, #tpu.memory_space<vmem>>, vector<16xi32>,
      %get3A_58 = vector.shape_cast %get3A_57 : vector<16xi32> to vector<16xi32>
      %mul3A_59 = arith.constant 16 : i32
      %mul3A_60 = arith.muli %scan3A_45, %mul3A_59 : i32
      %add3A_61 = arith.constant 0 : i32
      %add3A_62 = arith.addi %mul3A_60, %add3A_61 : i32
      %slice3A = vector.extract_strided_slice %get3A_51 {offsets = [0], sizes = [1], strides = [1]} : vector<16xi32> to vector<1xi32>
      %squeeze3A = vector.extract %slice3A[0] : i32 from vector<1xi32>
      %dma_start3A = arith.constant 0 : i32
      %dma_start3A_63 = tpu.memref_slice %arg10[%add3A_62, %dma_start3A] : memref<256x32xf32, #tpu.memory_space<vmem>> -> memref<1x32xf32, #tpu.memory_space<vmem>>
      %dma_start3A_64 = arith.constant 0 : i32
      %dma_start3A_65 = tpu.memref_slice %arg4[%squeeze3A, %dma_start3A_64] : memref<1000000x32xf32, #tpu.memory_space<hbm>> -> memref<1x32xf32, #tpu.memory_space<hbm>>
      %dma_start3A_66 = arith.constant 0 : i32
      %dma_start3A_67 = tpu.memref_slice %arg10[%add3A_62, %dma_start3A_66] : memref<256x32xf32, #tpu.memory_space<vmem>> -> memref<1x32xf32, #tpu.memory_space<vmem>>
      %dma_start3A_68 = arith.constant 0 : i32
      %dma_start3A_69 = tpu.memref_slice %arg4[%squeeze3A, %dma_start3A_68] : memref<1000000x32xf32, #tpu.memory_space<hbm>> -> memref<1x32xf32, #tpu.memory_space<hbm>>
      tpu.enqueue_dma source(%dma_start3A_69 : memref<1x32xf32, #tpu.memory_space<hbm>>) target(%dma_start3A_67 : memref<1x32xf32, #tpu.memory_space<vmem>>) target_semaphore(%arg12 : memref<!tpu.dma_semaphore, #tpu.memory_space<semaphore_mem>>)
      %slice3A_70 = vector.extract_strided_slice %get3A_58 {offsets = [0], sizes = [1], strides = [1]} : vector<16xi32> to vector<1xi32>
      %squeeze3A_71 = vector.extract %slice3A_70[0] : i32 from vector<1xi32>
      %dma_start3A_72 = arith.constant 0 : i32
      %dma_start3A_73 = tpu.memref_slice %arg11[%add3A_62, %dma_start3A_72] : memref<256x32xf32, #tpu.memory_space<vmem>> -> memref<1x32xf32, #tpu.memory_space<vmem>>
      %dma_start3A_74 = arith.constant 0 : i32
      %dma_start3A_75 = tpu.memref_slice %arg5[%squeeze3A_71, %dma_start3A_74] : memref<1000000x32xf32, #tpu.memory_space<hbm>> -> memref<1x32xf32, #tpu.memory_space<hbm>>
      %dma_start3A_76 = arith.constant 0 : i32
      %dma_start3A_77 = tpu.memref_slice %arg11[%add3A_62, %dma_start3A_76] : memref<256x32xf32, #tpu.memory_space<vmem>> -> memref<1x32xf32, #tpu.memory_space<vmem>>
      %dma_start3A_78 = arith.constant 0 : i32
      %dma_start3A_79 = tpu.memref_slice %arg5[%squeeze3A_71, %dma_start3A_78] : memref<1000000x32xf32, #tpu.memory_space<hbm>> -> memref<1x32xf32, #tpu.memory_space<hbm>>
      tpu.enqueue_dma source(%dma_start3A_79 : memref<1x32xf32, #tpu.memory_space<hbm>>) target(%dma_start3A_77 : memref<1x32xf32, #tpu.memory_space<vmem>>) target_semaphore(%arg13 : memref<!tpu.dma_semaphore, #tpu.memory_space<semaphore_mem>>)
      %mul3A_80 = arith.constant 16 : i32
      %mul3A_81 = arith.muli %scan3A_45, %mul3A_80 : i32
      %add3A_82 = arith.constant 1 : i32
      %add3A_83 = arith.addi %mul3A_81, %add3A_82 : i32
      %slice3A_84 = vector.extract_strided_slice %get3A_51 {offsets = [1], sizes = [1], strides = [1]} : vector<16xi32> to vector<1xi32>
      %squeeze3A_85 = vector.extract %slice3A_84[0] : i32 from vector<1xi32>
      %dma_start3A_86 = arith.constant 0 : i32
      %dma_start3A_87 = tpu.memref_slice %arg10[%add3A_83, %dma_start3A_86] : memref<256x32xf32, #tpu.memory_space<vmem>> -> memref<1x32xf32, #tpu.memory_space<vmem>>
      %dma_start3A_88 = arith.constant 0 : i32
      %dma_start3A_89 = tpu.memref_slice %arg4[%squeeze3A_85, %dma_start3A_88] : memref<1000000x32xf32, #tpu.memory_space<hbm>> -> memref<1x32xf32, #tpu.memory_space<hbm>>
      %dma_start3A_90 = arith.constant 0 : i32
      %dma_start3A_91 = tpu.memref_slice %arg10[%add3A_83, %dma_start3A_90] : memref<256x32xf32, #tpu.memory_space<vmem>> -> memref<1x32xf32, #tpu.memory_space<vmem>>
      %dma_start3A_92 = arith.constant 0 : i32
      %dma_start3A_93 = tpu.memref_slice %arg4[%squeeze3A_85, %dma_start3A_92] : memref<1000000x32xf32, #tpu.memory_space<hbm>> -> memref<1x32xf32, #tpu.memory_space<hbm>>
      tpu.enqueue_dma source(%dma_start3A_93 : memref<1x32xf32, #tpu.memory_space<hbm>>) target(%dma_start3A_91 : memref<1x32xf32, #tpu.memory_space<vmem>>) target_semaphore(%arg12 : memref<!tpu.dma_semaphore, #tpu.memory_space<semaphore_mem>>)
      %slice3A_94 = vector.extract_strided_slice %get3A_58 {offsets = [1], sizes = [1], strides = [1]} : vector<16xi32> to vector<1xi32>
      %squeeze3A_95 = vector.extract %slice3A_94[0] : i32 from vector<1xi32>
      %dma_start3A_96 = arith.constant 0 : i32
      %dma_start3A_97 = tpu.memref_slice %arg11[%add3A_83, %dma_start3A_96] : memref<256x32xf32, #tpu.memory_space<vmem>> -> memref<1x32xf32, #tpu.memory_space<vmem>>
      %dma_start3A_98 = arith.constant 0 : i32
      %dma_start3A_99 = tpu.memref_slice %arg5[%squeeze3A_95, %dma_start3A_98] : memref<1000000x32xf32, #tpu.memory_space<hbm>> -> memref<1x32xf32, #tpu.memory_space<hbm>>
      %dma_start3A_100 = arith.constant 0 : i32
      %dma_start3A_101 = tpu.memref_slice %arg11[%add3A_83, %dma_start3A_100] : memref<256x32xf32, #tpu.memory_space<vmem>> -> memref<1x32xf32, #tpu.memory_space<vmem>>
      %dma_start3A_102 = arith.constant 0 : i32
      %dma_start3A_103 = tpu.memref_slice %arg5[%squeeze3A_95, %dma_start3A_102] : memref<1000000x32xf32, #tpu.memory_space<hbm>> -> memref<1x32xf32, #tpu.memory_space<hbm>>
      tpu.enqueue_dma source(%dma_start3A_103 : memref<1x32xf32, #tpu.memory_space<hbm>>) target(%dma_start3A_101 : memref<1x32xf32, #tpu.memory_space<vmem>>) target_semaphore(%arg13 : memref<!tpu.dma_semaphore, #tpu.memory_space<semaphore_mem>>)
      %mul3A_104 = arith.constant 16 : i32
      %mul3A_105 = arith.muli %scan3A_45, %mul3A_104 : i32
      %add3A_106 = arith.constant 2 : i32
      %add3A_107 = arith.addi %mul3A_105, %add3A_106 : i32
      %slice3A_108 = vector.extract_strided_slice %get3A_51 {offsets = [2], sizes = [1], strides = [1]} : vector<16xi32> to vector<1xi32>
      %squeeze3A_109 = vector.extract %slice3A_108[0] : i32 from vector<1xi32>
      %dma_start3A_110 = arith.constant 0 : i32
      %dma_start3A_111 = tpu.memref_slice %arg10[%add3A_107, %dma_start3A_110] : memref<256x32xf32, #tpu.memory_space<vmem>> -> memref<1x32xf32, #tpu.memory_space<vmem>>
      %dma_start3A_112 = arith.constant 0 : i32
      %dma_start3A_113 = tpu.memref_slice %arg4[%squeeze3A_109, %dma_start3A_112] : memref<1000000x32xf32, #tpu.memory_space<hbm>> -> memref<1x32xf32, #tpu.memory_space<hbm>>
      %dma_start3A_114 = arith.constant 0 : i32
      %dma_start3A_115 = tpu.memref_slice %arg10[%add3A_107, %dma_start3A_114] : memref<256x32xf32, #tpu.memory_space<vmem>> -> memref<1x32xf32, #tpu.memory_space<vmem>>
      %dma_start3A_116 = arith.constant 0 : i32
      %dma_start3A_117 = tpu.memref_slice %arg4[%squeeze3A_109, %dma_start3A_116] : memref<1000000x32xf32, #tpu.memory_space<hbm>> -> memref<1x32xf32, #tpu.memory_space<hbm>>
      tpu.enqueue_dma source(%dma_start3A_117 : memref<1x32xf32, #tpu.memory_space<hbm>>) target(%dma_start3A_115 : memref<1x32xf32, #tpu.memory_space<vmem>>) target_semaphore(%arg12 : memref<!tpu.dma_semaphore, #tpu.memory_space<semaphore_mem>>)
      %slice3A_118 = vector.extract_strided_slice %get3A_58 {offsets = [2], sizes = [1], strides = [1]} : vector<16xi32> to vector<1xi32>
      %squeeze3A_119 = vector.extract %slice3A_118[0] : i32 from vector<1xi32>
      %dma_start3A_120 = arith.constant 0 : i32
      %dma_start3A_121 = tpu.memref_slice %arg11[%add3A_107, %dma_start3A_120] : memref<256x32xf32, #tpu.memory_space<vmem>> -> memref<1x32xf32, #tpu.memory_space<vmem>>
      %dma_start3A_122 = arith.constant 0 : i32
      %dma_start3A_123 = tpu.memref_slice %arg5[%squeeze3A_119, %dma_start3A_122] : memref<1000000x32xf32, #tpu.memory_space<hbm>> -> memref<1x32xf32, #tpu.memory_space<hbm>>
      %dma_start3A_124 = arith.constant 0 : i32
      %dma_start3A_125 = tpu.memref_slice %arg11[%add3A_107, %dma_start3A_124] : memref<256x32xf32, #tpu.memory_space<vmem>> -> memref<1x32xf32, #tpu.memory_space<vmem>>
      %dma_start3A_126 = arith.constant 0 : i32
      %dma_start3A_127 = tpu.memref_slice %arg5[%squeeze3A_119, %dma_start3A_126] : memref<1000000x32xf32, #tpu.memory_space<hbm>> -> memref<1x32xf32, #tpu.memory_space<hbm>>
      tpu.enqueue_dma source(%dma_start3A_127 : memref<1x32xf32, #tpu.memory_space<hbm>>) target(%dma_start3A_125 : memref<1x32xf32, #tpu.memory_space<vmem>>) target_semaphore(%arg13 : memref<!tpu.dma_semaphore, #tpu.memory_space<semaphore_mem>>)
      %mul3A_128 = arith.constant 16 : i32
      %mul3A_129 = arith.muli %scan3A_45, %mul3A_128 : i32
      %add3A_130 = arith.constant 3 : i32
      %add3A_131 = arith.addi %mul3A_129, %add3A_130 : i32
      %slice3A_132 = vector.extract_strided_slice %get3A_51 {offsets = [3], sizes = [1], strides = [1]} : vector<16xi32> to vector<1xi32>
      %squeeze3A_133 = vector.extract %slice3A_132[0] : i32 from vector<1xi32>
      %dma_start3A_134 = arith.constant 0 : i32
      %dma_start3A_135 = tpu.memref_slice %arg10[%add3A_131, %dma_start3A_134] : memref<256x32xf32, #tpu.memory_space<vmem>> -> memref<1x32xf32, #tpu.memory_space<vmem>>
      %dma_start3A_136 = arith.constant 0 : i32
      %dma_start3A_137 = tpu.memref_slice %arg4[%squeeze3A_133, %dma_start3A_136] : memref<1000000x32xf32, #tpu.memory_space<hbm>> -> memref<1x32xf32, #tpu.memory_space<hbm>>
      %dma_start3A_138 = arith.constant 0 : i32
      %dma_start3A_139 = tpu.memref_slice %arg10[%add3A_131, %dma_start3A_138] : memref<256x32xf32, #tpu.memory_space<vmem>> -> memref<1x32xf32, #tpu.memory_space<vmem>>
      %dma_start3A_140 = arith.constant 0 : i32
      %dma_start3A_141 = tpu.memref_slice %arg4[%squeeze3A_133, %dma_start3A_140] : memref<1000000x32xf32, #tpu.memory_space<hbm>> -> memref<1x32xf32, #tpu.memory_space<hbm>>
      tpu.enqueue_dma source(%dma_start3A_141 : memref<1x32xf32, #tpu.memory_space<hbm>>) target(%dma_start3A_139 : memref<1x32xf32, #tpu.memory_space<vmem>>) target_semaphore(%arg12 : memref<!tpu.dma_semaphore, #tpu.memory_space<semaphore_mem>>)
      %slice3A_142 = vector.extract_strided_slice %get3A_58 {offsets = [3], sizes = [1], strides = [1]} : vector<16xi32> to vector<1xi32>
      %squeeze3A_143 = vector.extract %slice3A_142[0] : i32 from vector<1xi32>
      %dma_start3A_144 = arith.constant 0 : i32
      %dma_start3A_145 = tpu.memref_slice %arg11[%add3A_131, %dma_start3A_144] : memref<256x32xf32, #tpu.memory_space<vmem>> -> memref<1x32xf32, #tpu.memory_space<vmem>>
      %dma_start3A_146 = arith.constant 0 : i32
      %dma_start3A_147 = tpu.memref_slice %arg5[%squeeze3A_143, %dma_start3A_146] : memref<1000000x32xf32, #tpu.memory_space<hbm>> -> memref<1x32xf32, #tpu.memory_space<hbm>>
      %dma_start3A_148 = arith.constant 0 : i32
      %dma_start3A_149 = tpu.memref_slice %arg11[%add3A_131, %dma_start3A_148] : memref<256x32xf32, #tpu.memory_space<vmem>> -> memref<1x32xf32, #tpu.memory_space<vmem>>
      %dma_start3A_150 = arith.constant 0 : i32
      %dma_start3A_151 = tpu.memref_slice %arg5[%squeeze3A_143, %dma_start3A_150] : memref<1000000x32xf32, #tpu.memory_space<hbm>> -> memref<1x32xf32, #tpu.memory_space<hbm>>
      tpu.enqueue_dma source(%dma_start3A_151 : memref<1x32xf32, #tpu.memory_space<hbm>>) target(%dma_start3A_149 : memref<1x32xf32, #tpu.memory_space<vmem>>) target_semaphore(%arg13 : memref<!tpu.dma_semaphore, #tpu.memory_space<semaphore_mem>>)
      %mul3A_152 = arith.constant 16 : i32
      %mul3A_153 = arith.muli %scan3A_45, %mul3A_152 : i32
      %add3A_154 = arith.constant 4 : i32
      %add3A_155 = arith.addi %mul3A_153, %add3A_154 : i32
      %slice3A_156 = vector.extract_strided_slice %get3A_51 {offsets = [4], sizes = [1], strides = [1]} : vector<16xi32> to vector<1xi32>
      %squeeze3A_157 = vector.extract %slice3A_156[0] : i32 from vector<1xi32>
      %dma_start3A_158 = arith.constant 0 : i32
      %dma_start3A_159 = tpu.memref_slice %arg10[%add3A_155, %dma_start3A_158] : memref<256x32xf32, #tpu.memory_space<vmem>> -> memref<1x32xf32, #tpu.memory_space<vmem>>
      %dma_start3A_160 = arith.constant 0 : i32
      %dma_start3A_161 = tpu.memref_slice %arg4[%squeeze3A_157, %dma_start3A_160] : memref<1000000x32xf32, #tpu.memory_space<hbm>> -> memref<1x32xf32, #tpu.memory_space<hbm>>
      %dma_start3A_162 = arith.constant 0 : i32
      %dma_start3A_163 = tpu.memref_slice %arg10[%add3A_155, %dma_start3A_162] : memref<256x32xf32, #tpu.memory_space<vmem>> -> memref<1x32xf32, #tpu.memory_space<vmem>>
      %dma_start3A_164 = arith.constant 0 : i32
      %dma_start3A_165 = tpu.memref_slice %arg4[%squeeze3A_157, %dma_start3A_164] : memref<1000000x32xf32, #tpu.memory_space<hbm>> -> memref<1x32xf32, #tpu.memory_space<hbm>>
      tpu.enqueue_dma source(%dma_start3A_165 : memref<1x32xf32, #tpu.memory_space<hbm>>) target(%dma_start3A_163 : memref<1x32xf32, #tpu.memory_space<vmem>>) target_semaphore(%arg12 : memref<!tpu.dma_semaphore, #tpu.memory_space<semaphore_mem>>)
      %slice3A_166 = vector.extract_strided_slice %get3A_58 {offsets = [4], sizes = [1], strides = [1]} : vector<16xi32> to vector<1xi32>
      %squeeze3A_167 = vector.extract %slice3A_166[0] : i32 from vector<1xi32>
      %dma_start3A_168 = arith.constant 0 : i32
      %dma_start3A_169 = tpu.memref_slice %arg11[%add3A_155, %dma_start3A_168] : memref<256x32xf32, #tpu.memory_space<vmem>> -> memref<1x32xf32, #tpu.memory_space<vmem>>
      %dma_start3A_170 = arith.constant 0 : i32
      %dma_start3A_171 = tpu.memref_slice %arg5[%squeeze3A_167, %dma_start3A_170] : memref<1000000x32xf32, #tpu.memory_space<hbm>> -> memref<1x32xf32, #tpu.memory_space<hbm>>
      %dma_start3A_172 = arith.constant 0 : i32
      %dma_start3A_173 = tpu.memref_slice %arg11[%add3A_155, %dma_start3A_172] : memref<256x32xf32, #tpu.memory_space<vmem>> -> memref<1x32xf32, #tpu.memory_space<vmem>>
      %dma_start3A_174 = arith.constant 0 : i32
      %dma_start3A_175 = tpu.memref_slice %arg5[%squeeze3A_167, %dma_start3A_174] : memref<1000000x32xf32, #tpu.memory_space<hbm>> -> memref<1x32xf32, #tpu.memory_space<hbm>>
      tpu.enqueue_dma source(%dma_start3A_175 : memref<1x32xf32, #tpu.memory_space<hbm>>) target(%dma_start3A_173 : memref<1x32xf32, #tpu.memory_space<vmem>>) target_semaphore(%arg13 : memref<!tpu.dma_semaphore, #tpu.memory_space<semaphore_mem>>)
      %mul3A_176 = arith.constant 16 : i32
      %mul3A_177 = arith.muli %scan3A_45, %mul3A_176 : i32
      %add3A_178 = arith.constant 5 : i32
      %add3A_179 = arith.addi %mul3A_177, %add3A_178 : i32
      %slice3A_180 = vector.extract_strided_slice %get3A_51 {offsets = [5], sizes = [1], strides = [1]} : vector<16xi32> to vector<1xi32>
      %squeeze3A_181 = vector.extract %slice3A_180[0] : i32 from vector<1xi32>
      %dma_start3A_182 = arith.constant 0 : i32
      %dma_start3A_183 = tpu.memref_slice %arg10[%add3A_179, %dma_start3A_182] : memref<256x32xf32, #tpu.memory_space<vmem>> -> memref<1x32xf32, #tpu.memory_space<vmem>>
      %dma_start3A_184 = arith.constant 0 : i32
      %dma_start3A_185 = tpu.memref_slice %arg4[%squeeze3A_181, %dma_start3A_184] : memref<1000000x32xf32, #tpu.memory_space<hbm>> -> memref<1x32xf32, #tpu.memory_space<hbm>>
      %dma_start3A_186 = arith.constant 0 : i32
      %dma_start3A_187 = tpu.memref_slice %arg10[%add3A_179, %dma_start3A_186] : memref<256x32xf32, #tpu.memory_space<vmem>> -> memref<1x32xf32, #tpu.memory_space<vmem>>
      %dma_start3A_188 = arith.constant 0 : i32
      %dma_start3A_189 = tpu.memref_slice %arg4[%squeeze3A_181, %dma_start3A_188] : memref<1000000x32xf32, #tpu.memory_space<hbm>> -> memref<1x32xf32, #tpu.memory_space<hbm>>
      tpu.enqueue_dma source(%dma_start3A_189 : memref<1x32xf32, #tpu.memory_space<hbm>>) target(%dma_start3A_187 : memref<1x32xf32, #tpu.memory_space<vmem>>) target_semaphore(%arg12 : memref<!tpu.dma_semaphore, #tpu.memory_space<semaphore_mem>>)
      %slice3A_190 = vector.extract_strided_slice %get3A_58 {offsets = [5], sizes = [1], strides = [1]} : vector<16xi32> to vector<1xi32>
      %squeeze3A_191 = vector.extract %slice3A_190[0] : i32 from vector<1xi32>
      %dma_start3A_192 = arith.constant 0 : i32
      %dma_start3A_193 = tpu.memref_slice %arg11[%add3A_179, %dma_start3A_192] : memref<256x32xf32, #tpu.memory_space<vmem>> -> memref<1x32xf32, #tpu.memory_space<vmem>>
      %dma_start3A_194 = arith.constant 0 : i32
      %dma_start3A_195 = tpu.memref_slice %arg5[%squeeze3A_191, %dma_start3A_194] : memref<1000000x32xf32, #tpu.memory_space<hbm>> -> memref<1x32xf32, #tpu.memory_space<hbm>>
      %dma_start3A_196 = arith.constant 0 : i32
      %dma_start3A_197 = tpu.memref_slice %arg11[%add3A_179, %dma_start3A_196] : memref<256x32xf32, #tpu.memory_space<vmem>> -> memref<1x32xf32, #tpu.memory_space<vmem>>
      %dma_start3A_198 = arith.constant 0 : i32
      %dma_start3A_199 = tpu.memref_slice %arg5[%squeeze3A_191, %dma_start3A_198] : memref<1000000x32xf32, #tpu.memory_space<hbm>> -> memref<1x32xf32, #tpu.memory_space<hbm>>
      tpu.enqueue_dma source(%dma_start3A_199 : memref<1x32xf32, #tpu.memory_space<hbm>>) target(%dma_start3A_197 : memref<1x32xf32, #tpu.memory_space<vmem>>) target_semaphore(%arg13 : memref<!tpu.dma_semaphore, #tpu.memory_space<semaphore_mem>>)
      %mul3A_200 = arith.constant 16 : i32
      %mul3A_201 = arith.muli %scan3A_45, %mul3A_200 : i32
      %add3A_202 = arith.constant 6 : i32
      %add3A_203 = arith.addi %mul3A_201, %add3A_202 : i32
      %slice3A_204 = vector.extract_strided_slice %get3A_51 {offsets = [6], sizes = [1], strides = [1]} : vector<16xi32> to vector<1xi32>
      %squeeze3A_205 = vector.extract %slice3A_204[0] : i32 from vector<1xi32>
      %dma_start3A_206 = arith.constant 0 : i32
      %dma_start3A_207 = tpu.memref_slice %arg10[%add3A_203, %dma_start3A_206] : memref<256x32xf32, #tpu.memory_space<vmem>> -> memref<1x32xf32, #tpu.memory_space<vmem>>
      %dma_start3A_208 = arith.constant 0 : i32
      %dma_start3A_209 = tpu.memref_slice %arg4[%squeeze3A_205, %dma_start3A_208] : memref<1000000x32xf32, #tpu.memory_space<hbm>> -> memref<1x32xf32, #tpu.memory_space<hbm>>
      %dma_start3A_210 = arith.constant 0 : i32
      %dma_start3A_211 = tpu.memref_slice %arg10[%add3A_203, %dma_start3A_210] : memref<256x32xf32, #tpu.memory_space<vmem>> -> memref<1x32xf32, #tpu.memory_space<vmem>>
      %dma_start3A_212 = arith.constant 0 : i32
      %dma_start3A_213 = tpu.memref_slice %arg4[%squeeze3A_205, %dma_start3A_212] : memref<1000000x32xf32, #tpu.memory_space<hbm>> -> memref<1x32xf32, #tpu.memory_space<hbm>>
      tpu.enqueue_dma source(%dma_start3A_213 : memref<1x32xf32, #tpu.memory_space<hbm>>) target(%dma_start3A_211 : memref<1x32xf32, #tpu.memory_space<vmem>>) target_semaphore(%arg12 : memref<!tpu.dma_semaphore, #tpu.memory_space<semaphore_mem>>)
      %slice3A_214 = vector.extract_strided_slice %get3A_58 {offsets = [6], sizes = [1], strides = [1]} : vector<16xi32> to vector<1xi32>
      %squeeze3A_215 = vector.extract %slice3A_214[0] : i32 from vector<1xi32>
      %dma_start3A_216 = arith.constant 0 : i32
      %dma_start3A_217 = tpu.memref_slice %arg11[%add3A_203, %dma_start3A_216] : memref<256x32xf32, #tpu.memory_space<vmem>> -> memref<1x32xf32, #tpu.memory_space<vmem>>
      %dma_start3A_218 = arith.constant 0 : i32
      %dma_start3A_219 = tpu.memref_slice %arg5[%squeeze3A_215, %dma_start3A_218] : memref<1000000x32xf32, #tpu.memory_space<hbm>> -> memref<1x32xf32, #tpu.memory_space<hbm>>
      %dma_start3A_220 = arith.constant 0 : i32
      %dma_start3A_221 = tpu.memref_slice %arg11[%add3A_203, %dma_start3A_220] : memref<256x32xf32, #tpu.memory_space<vmem>> -> memref<1x32xf32, #tpu.memory_space<vmem>>
      %dma_start3A_222 = arith.constant 0 : i32
      %dma_start3A_223 = tpu.memref_slice %arg5[%squeeze3A_215, %dma_start3A_222] : memref<1000000x32xf32, #tpu.memory_space<hbm>> -> memref<1x32xf32, #tpu.memory_space<hbm>>
      tpu.enqueue_dma source(%dma_start3A_223 : memref<1x32xf32, #tpu.memory_space<hbm>>) target(%dma_start3A_221 : memref<1x32xf32, #tpu.memory_space<vmem>>) target_semaphore(%arg13 : memref<!tpu.dma_semaphore, #tpu.memory_space<semaphore_mem>>)
      %mul3A_224 = arith.constant 16 : i32
      %mul3A_225 = arith.muli %scan3A_45, %mul3A_224 : i32
      %add3A_226 = arith.constant 7 : i32
      %add3A_227 = arith.addi %mul3A_225, %add3A_226 : i32
      %slice3A_228 = vector.extract_strided_slice %get3A_51 {offsets = [7], sizes = [1], strides = [1]} : vector<16xi32> to vector<1xi32>
      %squeeze3A_229 = vector.extract %slice3A_228[0] : i32 from vector<1xi32>
      %dma_start3A_230 = arith.constant 0 : i32
      %dma_start3A_231 = tpu.memref_slice %arg10[%add3A_227, %dma_start3A_230] : memref<256x32xf32, #tpu.memory_space<vmem>> -> memref<1x32xf32, #tpu.memory_space<vmem>>
      %dma_start3A_232 = arith.constant 0 : i32
      %dma_start3A_233 = tpu.memref_slice %arg4[%squeeze3A_229, %dma_start3A_232] : memref<1000000x32xf32, #tpu.memory_space<hbm>> -> memref<1x32xf32, #tpu.memory_space<hbm>>
      %dma_start3A_234 = arith.constant 0 : i32
      %dma_start3A_235 = tpu.memref_slice %arg10[%add3A_227, %dma_start3A_234] : memref<256x32xf32, #tpu.memory_space<vmem>> -> memref<1x32xf32, #tpu.memory_space<vmem>>
      %dma_start3A_236 = arith.constant 0 : i32
      %dma_start3A_237 = tpu.memref_slice %arg4[%squeeze3A_229, %dma_start3A_236] : memref<1000000x32xf32, #tpu.memory_space<hbm>> -> memref<1x32xf32, #tpu.memory_space<hbm>>
      tpu.enqueue_dma source(%dma_start3A_237 : memref<1x32xf32, #tpu.memory_space<hbm>>) target(%dma_start3A_235 : memref<1x32xf32, #tpu.memory_space<vmem>>) target_semaphore(%arg12 : memref<!tpu.dma_semaphore, #tpu.memory_space<semaphore_mem>>)
      %slice3A_238 = vector.extract_strided_slice %get3A_58 {offsets = [7], sizes = [1], strides = [1]} : vector<16xi32> to vector<1xi32>
      %squeeze3A_239 = vector.extract %slice3A_238[0] : i32 from vector<1xi32>
      %dma_start3A_240 = arith.constant 0 : i32
      %dma_start3A_241 = tpu.memref_slice %arg11[%add3A_227, %dma_start3A_240] : memref<256x32xf32, #tpu.memory_space<vmem>> -> memref<1x32xf32, #tpu.memory_space<vmem>>
      %dma_start3A_242 = arith.constant 0 : i32
      %dma_start3A_243 = tpu.memref_slice %arg5[%squeeze3A_239, %dma_start3A_242] : memref<1000000x32xf32, #tpu.memory_space<hbm>> -> memref<1x32xf32, #tpu.memory_space<hbm>>
      %dma_start3A_244 = arith.constant 0 : i32
      %dma_start3A_245 = tpu.memref_slice %arg11[%add3A_227, %dma_start3A_244] : memref<256x32xf32, #tpu.memory_space<vmem>> -> memref<1x32xf32, #tpu.memory_space<vmem>>
      %dma_start3A_246 = arith.constant 0 : i32
      %dma_start3A_247 = tpu.memref_slice %arg5[%squeeze3A_239, %dma_start3A_246] : memref<1000000x32xf32, #tpu.memory_space<hbm>> -> memref<1x32xf32, #tpu.memory_space<hbm>>
      tpu.enqueue_dma source(%dma_start3A_247 : memref<1x32xf32, #tpu.memory_space<hbm>>) target(%dma_start3A_245 : memref<1x32xf32, #tpu.memory_space<vmem>>) target_semaphore(%arg13 : memref<!tpu.dma_semaphore, #tpu.memory_space<semaphore_mem>>)
      %mul3A_248 = arith.constant 16 : i32
      %mul3A_249 = arith.muli %scan3A_45, %mul3A_248 : i32
      %add3A_250 = arith.constant 8 : i32
      %add3A_251 = arith.addi %mul3A_249, %add3A_250 : i32
      %slice3A_252 = vector.extract_strided_slice %get3A_51 {offsets = [8], sizes = [1], strides = [1]} : vector<16xi32> to vector<1xi32>
      %squeeze3A_253 = vector.extract %slice3A_252[0] : i32 from vector<1xi32>
      %dma_start3A_254 = arith.constant 0 : i32
      %dma_start3A_255 = tpu.memref_slice %arg10[%add3A_251, %dma_start3A_254] : memref<256x32xf32, #tpu.memory_space<vmem>> -> memref<1x32xf32, #tpu.memory_space<vmem>>
      %dma_start3A_256 = arith.constant 0 : i32
      %dma_start3A_257 = tpu.memref_slice %arg4[%squeeze3A_253, %dma_start3A_256] : memref<1000000x32xf32, #tpu.memory_space<hbm>> -> memref<1x32xf32, #tpu.memory_space<hbm>>
      %dma_start3A_258 = arith.constant 0 : i32
      %dma_start3A_259 = tpu.memref_slice %arg10[%add3A_251, %dma_start3A_258] : memref<256x32xf32, #tpu.memory_space<vmem>> -> memref<1x32xf32, #tpu.memory_space<vmem>>
      %dma_start3A_260 = arith.constant 0 : i32
      %dma_start3A_261 = tpu.memref_slice %arg4[%squeeze3A_253, %dma_start3A_260] : memref<1000000x32xf32, #tpu.memory_space<hbm>> -> memref<1x32xf32, #tpu.memory_space<hbm>>
      tpu.enqueue_dma source(%dma_start3A_261 : memref<1x32xf32, #tpu.memory_space<hbm>>) target(%dma_start3A_259 : memref<1x32xf32, #tpu.memory_space<vmem>>) target_semaphore(%arg12 : memref<!tpu.dma_semaphore, #tpu.memory_space<semaphore_mem>>)
      %slice3A_262 = vector.extract_strided_slice %get3A_58 {offsets = [8], sizes = [1], strides = [1]} : vector<16xi32> to vector<1xi32>
      %squeeze3A_263 = vector.extract %slice3A_262[0] : i32 from vector<1xi32>
      %dma_start3A_264 = arith.constant 0 : i32
      %dma_start3A_265 = tpu.memref_slice %arg11[%add3A_251, %dma_start3A_264] : memref<256x32xf32, #tpu.memory_space<vmem>> -> memref<1x32xf32, #tpu.memory_space<vmem>>
      %dma_start3A_266 = arith.constant 0 : i32
      %dma_start3A_267 = tpu.memref_slice %arg5[%squeeze3A_263, %dma_start3A_266] : memref<1000000x32xf32, #tpu.memory_space<hbm>> -> memref<1x32xf32, #tpu.memory_space<hbm>>
      %dma_start3A_268 = arith.constant 0 : i32
      %dma_start3A_269 = tpu.memref_slice %arg11[%add3A_251, %dma_start3A_268] : memref<256x32xf32, #tpu.memory_space<vmem>> -> memref<1x32xf32, #tpu.memory_space<vmem>>
      %dma_start3A_270 = arith.constant 0 : i32
      %dma_start3A_271 = tpu.memref_slice %arg5[%squeeze3A_263, %dma_start3A_270] : memref<1000000x32xf32, #tpu.memory_space<hbm>> -> memref<1x32xf32, #tpu.memory_space<hbm>>
      tpu.enqueue_dma source(%dma_start3A_271 : memref<1x32xf32, #tpu.memory_space<hbm>>) target(%dma_start3A_269 : memref<1x32xf32, #tpu.memory_space<vmem>>) target_semaphore(%arg13 : memref<!tpu.dma_semaphore, #tpu.memory_space<semaphore_mem>>)
      %mul3A_272 = arith.constant 16 : i32
      %mul3A_273 = arith.muli %scan3A_45, %mul3A_272 : i32
      %add3A_274 = arith.constant 9 : i32
      %add3A_275 = arith.addi %mul3A_273, %add3A_274 : i32
      %slice3A_276 = vector.extract_strided_slice %get3A_51 {offsets = [9], sizes = [1], strides = [1]} : vector<16xi32> to vector<1xi32>
      %squeeze3A_277 = vector.extract %slice3A_276[0] : i32 from vector<1xi32>
      %dma_start3A_278 = arith.constant 0 : i32
      %dma_start3A_279 = tpu.memref_slice %arg10[%add3A_275, %dma_start3A_278] : memref<256x32xf32, #tpu.memory_space<vmem>> -> memref<1x32xf32, #tpu.memory_space<vmem>>
      %dma_start3A_280 = arith.constant 0 : i32
      %dma_start3A_281 = tpu.memref_slice %arg4[%squeeze3A_277, %dma_start3A_280] : memref<1000000x32xf32, #tpu.memory_space<hbm>> -> memref<1x32xf32, #tpu.memory_space<hbm>>
      %dma_start3A_282 = arith.constant 0 : i32
      %dma_start3A_283 = tpu.memref_slice %arg10[%add3A_275, %dma_start3A_282] : memref<256x32xf32, #tpu.memory_space<vmem>> -> memref<1x32xf32, #tpu.memory_space<vmem>>
      %dma_start3A_284 = arith.constant 0 : i32
      %dma_start3A_285 = tpu.memref_slice %arg4[%squeeze3A_277, %dma_start3A_284] : memref<1000000x32xf32, #tpu.memory_space<hbm>> -> memref<1x32xf32, #tpu.memory_space<hbm>>
      tpu.enqueue_dma source(%dma_start3A_285 : memref<1x32xf32, #tpu.memory_space<hbm>>) target(%dma_start3A_283 : memref<1x32xf32, #tpu.memory_space<vmem>>) target_semaphore(%arg12 : memref<!tpu.dma_semaphore, #tpu.memory_space<semaphore_mem>>)
      %slice3A_286 = vector.extract_strided_slice %get3A_58 {offsets = [9], sizes = [1], strides = [1]} : vector<16xi32> to vector<1xi32>
      %squeeze3A_287 = vector.extract %slice3A_286[0] : i32 from vector<1xi32>
      %dma_start3A_288 = arith.constant 0 : i32
      %dma_start3A_289 = tpu.memref_slice %arg11[%add3A_275, %dma_start3A_288] : memref<256x32xf32, #tpu.memory_space<vmem>> -> memref<1x32xf32, #tpu.memory_space<vmem>>
      %dma_start3A_290 = arith.constant 0 : i32
      %dma_start3A_291 = tpu.memref_slice %arg5[%squeeze3A_287, %dma_start3A_290] : memref<1000000x32xf32, #tpu.memory_space<hbm>> -> memref<1x32xf32, #tpu.memory_space<hbm>>
      %dma_start3A_292 = arith.constant 0 : i32
      %dma_start3A_293 = tpu.memref_slice %arg11[%add3A_275, %dma_start3A_292] : memref<256x32xf32, #tpu.memory_space<vmem>> -> memref<1x32xf32, #tpu.memory_space<vmem>>
      %dma_start3A_294 = arith.constant 0 : i32
      %dma_start3A_295 = tpu.memref_slice %arg5[%squeeze3A_287, %dma_start3A_294] : memref<1000000x32xf32, #tpu.memory_space<hbm>> -> memref<1x32xf32, #tpu.memory_space<hbm>>
      tpu.enqueue_dma source(%dma_start3A_295 : memref<1x32xf32, #tpu.memory_space<hbm>>) target(%dma_start3A_293 : memref<1x32xf32, #tpu.memory_space<vmem>>) target_semaphore(%arg13 : memref<!tpu.dma_semaphore, #tpu.memory_space<semaphore_mem>>)
      %mul3A_296 = arith.constant 16 : i32
      %mul3A_297 = arith.muli %scan3A_45, %mul3A_296 : i32
      %add3A_298 = arith.constant 10 : i32
      %add3A_299 = arith.addi %mul3A_297, %add3A_298 : i32
      %slice3A_300 = vector.extract_strided_slice %get3A_51 {offsets = [10], sizes = [1], strides = [1]} : vector<16xi32> to vector<1xi32>
      %squeeze3A_301 = vector.extract %slice3A_300[0] : i32 from vector<1xi32>
      %dma_start3A_302 = arith.constant 0 : i32
      %dma_start3A_303 = tpu.memref_slice %arg10[%add3A_299, %dma_start3A_302] : memref<256x32xf32, #tpu.memory_space<vmem>> -> memref<1x32xf32, #tpu.memory_space<vmem>>
      %dma_start3A_304 = arith.constant 0 : i32
      %dma_start3A_305 = tpu.memref_slice %arg4[%squeeze3A_301, %dma_start3A_304] : memref<1000000x32xf32, #tpu.memory_space<hbm>> -> memref<1x32xf32, #tpu.memory_space<hbm>>
      %dma_start3A_306 = arith.constant 0 : i32
      %dma_start3A_307 = tpu.memref_slice %arg10[%add3A_299, %dma_start3A_306] : memref<256x32xf32, #tpu.memory_space<vmem>> -> memref<1x32xf32, #tpu.memory_space<vmem>>
      %dma_start3A_308 = arith.constant 0 : i32
      %dma_start3A_309 = tpu.memref_slice %arg4[%squeeze3A_301, %dma_start3A_308] : memref<1000000x32xf32, #tpu.memory_space<hbm>> -> memref<1x32xf32, #tpu.memory_space<hbm>>
      tpu.enqueue_dma source(%dma_start3A_309 : memref<1x32xf32, #tpu.memory_space<hbm>>) target(%dma_start3A_307 : memref<1x32xf32, #tpu.memory_space<vmem>>) target_semaphore(%arg12 : memref<!tpu.dma_semaphore, #tpu.memory_space<semaphore_mem>>)
      %slice3A_310 = vector.extract_strided_slice %get3A_58 {offsets = [10], sizes = [1], strides = [1]} : vector<16xi32> to vector<1xi32>
      %squeeze3A_311 = vector.extract %slice3A_310[0] : i32 from vector<1xi32>
      %dma_start3A_312 = arith.constant 0 : i32
      %dma_start3A_313 = tpu.memref_slice %arg11[%add3A_299, %dma_start3A_312] : memref<256x32xf32, #tpu.memory_space<vmem>> -> memref<1x32xf32, #tpu.memory_space<vmem>>
      %dma_start3A_314 = arith.constant 0 : i32
      %dma_start3A_315 = tpu.memref_slice %arg5[%squeeze3A_311, %dma_start3A_314] : memref<1000000x32xf32, #tpu.memory_space<hbm>> -> memref<1x32xf32, #tpu.memory_space<hbm>>
      %dma_start3A_316 = arith.constant 0 : i32
      %dma_start3A_317 = tpu.memref_slice %arg11[%add3A_299, %dma_start3A_316] : memref<256x32xf32, #tpu.memory_space<vmem>> -> memref<1x32xf32, #tpu.memory_space<vmem>>
      %dma_start3A_318 = arith.constant 0 : i32
      %dma_start3A_319 = tpu.memref_slice %arg5[%squeeze3A_311, %dma_start3A_318] : memref<1000000x32xf32, #tpu.memory_space<hbm>> -> memref<1x32xf32, #tpu.memory_space<hbm>>
      tpu.enqueue_dma source(%dma_start3A_319 : memref<1x32xf32, #tpu.memory_space<hbm>>) target(%dma_start3A_317 : memref<1x32xf32, #tpu.memory_space<vmem>>) target_semaphore(%arg13 : memref<!tpu.dma_semaphore, #tpu.memory_space<semaphore_mem>>)
      %mul3A_320 = arith.constant 16 : i32
      %mul3A_321 = arith.muli %scan3A_45, %mul3A_320 : i32
      %add3A_322 = arith.constant 11 : i32
      %add3A_323 = arith.addi %mul3A_321, %add3A_322 : i32
      %slice3A_324 = vector.extract_strided_slice %get3A_51 {offsets = [11], sizes = [1], strides = [1]} : vector<16xi32> to vector<1xi32>
      %squeeze3A_325 = vector.extract %slice3A_324[0] : i32 from vector<1xi32>
      %dma_start3A_326 = arith.constant 0 : i32
      %dma_start3A_327 = tpu.memref_slice %arg10[%add3A_323, %dma_start3A_326] : memref<256x32xf32, #tpu.memory_space<vmem>> -> memref<1x32xf32, #tpu.memory_space<vmem>>
      %dma_start3A_328 = arith.constant 0 : i32
      %dma_start3A_329 = tpu.memref_slice %arg4[%squeeze3A_325, %dma_start3A_328] : memref<1000000x32xf32, #tpu.memory_space<hbm>> -> memref<1x32xf32, #tpu.memory_space<hbm>>
      %dma_start3A_330 = arith.constant 0 : i32
      %dma_start3A_331 = tpu.memref_slice %arg10[%add3A_323, %dma_start3A_330] : memref<256x32xf32, #tpu.memory_space<vmem>> -> memref<1x32xf32, #tpu.memory_space<vmem>>
      %dma_start3A_332 = arith.constant 0 : i32
      %dma_start3A_333 = tpu.memref_slice %arg4[%squeeze3A_325, %dma_start3A_332] : memref<1000000x32xf32, #tpu.memory_space<hbm>> -> memref<1x32xf32, #tpu.memory_space<hbm>>
      tpu.enqueue_dma source(%dma_start3A_333 : memref<1x32xf32, #tpu.memory_space<hbm>>) target(%dma_start3A_331 : memref<1x32xf32, #tpu.memory_space<vmem>>) target_semaphore(%arg12 : memref<!tpu.dma_semaphore, #tpu.memory_space<semaphore_mem>>)
      %slice3A_334 = vector.extract_strided_slice %get3A_58 {offsets = [11], sizes = [1], strides = [1]} : vector<16xi32> to vector<1xi32>
      %squeeze3A_335 = vector.extract %slice3A_334[0] : i32 from vector<1xi32>
      %dma_start3A_336 = arith.constant 0 : i32
      %dma_start3A_337 = tpu.memref_slice %arg11[%add3A_323, %dma_start3A_336] : memref<256x32xf32, #tpu.memory_space<vmem>> -> memref<1x32xf32, #tpu.memory_space<vmem>>
      %dma_start3A_338 = arith.constant 0 : i32
      %dma_start3A_339 = tpu.memref_slice %arg5[%squeeze3A_335, %dma_start3A_338] : memref<1000000x32xf32, #tpu.memory_space<hbm>> -> memref<1x32xf32, #tpu.memory_space<hbm>>
      %dma_start3A_340 = arith.constant 0 : i32
      %dma_start3A_341 = tpu.memref_slice %arg11[%add3A_323, %dma_start3A_340] : memref<256x32xf32, #tpu.memory_space<vmem>> -> memref<1x32xf32, #tpu.memory_space<vmem>>
      %dma_start3A_342 = arith.constant 0 : i32
      %dma_start3A_343 = tpu.memref_slice %arg5[%squeeze3A_335, %dma_start3A_342] : memref<1000000x32xf32, #tpu.memory_space<hbm>> -> memref<1x32xf32, #tpu.memory_space<hbm>>
      tpu.enqueue_dma source(%dma_start3A_343 : memref<1x32xf32, #tpu.memory_space<hbm>>) target(%dma_start3A_341 : memref<1x32xf32, #tpu.memory_space<vmem>>) target_semaphore(%arg13 : memref<!tpu.dma_semaphore, #tpu.memory_space<semaphore_mem>>)
      %mul3A_344 = arith.constant 16 : i32
      %mul3A_345 = arith.muli %scan3A_45, %mul3A_344 : i32
      %add3A_346 = arith.constant 12 : i32
      %add3A_347 = arith.addi %mul3A_345, %add3A_346 : i32
      %slice3A_348 = vector.extract_strided_slice %get3A_51 {offsets = [12], sizes = [1], strides = [1]} : vector<16xi32> to vector<1xi32>
      %squeeze3A_349 = vector.extract %slice3A_348[0] : i32 from vector<1xi32>
      %dma_start3A_350 = arith.constant 0 : i32
      %dma_start3A_351 = tpu.memref_slice %arg10[%add3A_347, %dma_start3A_350] : memref<256x32xf32, #tpu.memory_space<vmem>> -> memref<1x32xf32, #tpu.memory_space<vmem>>
      %dma_start3A_352 = arith.constant 0 : i32
      %dma_start3A_353 = tpu.memref_slice %arg4[%squeeze3A_349, %dma_start3A_352] : memref<1000000x32xf32, #tpu.memory_space<hbm>> -> memref<1x32xf32, #tpu.memory_space<hbm>>
      %dma_start3A_354 = arith.constant 0 : i32
      %dma_start3A_355 = tpu.memref_slice %arg10[%add3A_347, %dma_start3A_354] : memref<256x32xf32, #tpu.memory_space<vmem>> -> memref<1x32xf32, #tpu.memory_space<vmem>>
      %dma_start3A_356 = arith.constant 0 : i32
      %dma_start3A_357 = tpu.memref_slice %arg4[%squeeze3A_349, %dma_start3A_356] : memref<1000000x32xf32, #tpu.memory_space<hbm>> -> memref<1x32xf32, #tpu.memory_space<hbm>>
      tpu.enqueue_dma source(%dma_start3A_357 : memref<1x32xf32, #tpu.memory_space<hbm>>) target(%dma_start3A_355 : memref<1x32xf32, #tpu.memory_space<vmem>>) target_semaphore(%arg12 : memref<!tpu.dma_semaphore, #tpu.memory_space<semaphore_mem>>)
      %slice3A_358 = vector.extract_strided_slice %get3A_58 {offsets = [12], sizes = [1], strides = [1]} : vector<16xi32> to vector<1xi32>
      %squeeze3A_359 = vector.extract %slice3A_358[0] : i32 from vector<1xi32>
      %dma_start3A_360 = arith.constant 0 : i32
      %dma_start3A_361 = tpu.memref_slice %arg11[%add3A_347, %dma_start3A_360] : memref<256x32xf32, #tpu.memory_space<vmem>> -> memref<1x32xf32, #tpu.memory_space<vmem>>
      %dma_start3A_362 = arith.constant 0 : i32
      %dma_start3A_363 = tpu.memref_slice %arg5[%squeeze3A_359, %dma_start3A_362] : memref<1000000x32xf32, #tpu.memory_space<hbm>> -> memref<1x32xf32, #tpu.memory_space<hbm>>
      %dma_start3A_364 = arith.constant 0 : i32
      %dma_start3A_365 = tpu.memref_slice %arg11[%add3A_347, %dma_start3A_364] : memref<256x32xf32, #tpu.memory_space<vmem>> -> memref<1x32xf32, #tpu.memory_space<vmem>>
      %dma_start3A_366 = arith.constant 0 : i32
      %dma_start3A_367 = tpu.memref_slice %arg5[%squeeze3A_359, %dma_start3A_366] : memref<1000000x32xf32, #tpu.memory_space<hbm>> -> memref<1x32xf32, #tpu.memory_space<hbm>>
      tpu.enqueue_dma source(%dma_start3A_367 : memref<1x32xf32, #tpu.memory_space<hbm>>) target(%dma_start3A_365 : memref<1x32xf32, #tpu.memory_space<vmem>>) target_semaphore(%arg13 : memref<!tpu.dma_semaphore, #tpu.memory_space<semaphore_mem>>)
      %mul3A_368 = arith.constant 16 : i32
      %mul3A_369 = arith.muli %scan3A_45, %mul3A_368 : i32
      %add3A_370 = arith.constant 13 : i32
      %add3A_371 = arith.addi %mul3A_369, %add3A_370 : i32
      %slice3A_372 = vector.extract_strided_slice %get3A_51 {offsets = [13], sizes = [1], strides = [1]} : vector<16xi32> to vector<1xi32>
      %squeeze3A_373 = vector.extract %slice3A_372[0] : i32 from vector<1xi32>
      %dma_start3A_374 = arith.constant 0 : i32
      %dma_start3A_375 = tpu.memref_slice %arg10[%add3A_371, %dma_start3A_374] : memref<256x32xf32, #tpu.memory_space<vmem>> -> memref<1x32xf32, #tpu.memory_space<vmem>>
      %dma_start3A_376 = arith.constant 0 : i32
      %dma_start3A_377 = tpu.memref_slice %arg4[%squeeze3A_373, %dma_start3A_376] : memref<1000000x32xf32, #tpu.memory_space<hbm>> -> memref<1x32xf32, #tpu.memory_space<hbm>>
      %dma_start3A_378 = arith.constant 0 : i32
      %dma_start3A_379 = tpu.memref_slice %arg10[%add3A_371, %dma_start3A_378] : memref<256x32xf32, #tpu.memory_space<vmem>> -> memref<1x32xf32, #tpu.memory_space<vmem>>
      %dma_start3A_380 = arith.constant 0 : i32
      %dma_start3A_381 = tpu.memref_slice %arg4[%squeeze3A_373, %dma_start3A_380] : memref<1000000x32xf32, #tpu.memory_space<hbm>> -> memref<1x32xf32, #tpu.memory_space<hbm>>
      tpu.enqueue_dma source(%dma_start3A_381 : memref<1x32xf32, #tpu.memory_space<hbm>>) target(%dma_start3A_379 : memref<1x32xf32, #tpu.memory_space<vmem>>) target_semaphore(%arg12 : memref<!tpu.dma_semaphore, #tpu.memory_space<semaphore_mem>>)
      %slice3A_382 = vector.extract_strided_slice %get3A_58 {offsets = [13], sizes = [1], strides = [1]} : vector<16xi32> to vector<1xi32>
      %squeeze3A_383 = vector.extract %slice3A_382[0] : i32 from vector<1xi32>
      %dma_start3A_384 = arith.constant 0 : i32
      %dma_start3A_385 = tpu.memref_slice %arg11[%add3A_371, %dma_start3A_384] : memref<256x32xf32, #tpu.memory_space<vmem>> -> memref<1x32xf32, #tpu.memory_space<vmem>>
      %dma_start3A_386 = arith.constant 0 : i32
      %dma_start3A_387 = tpu.memref_slice %arg5[%squeeze3A_383, %dma_start3A_386] : memref<1000000x32xf32, #tpu.memory_space<hbm>> -> memref<1x32xf32, #tpu.memory_space<hbm>>
      %dma_start3A_388 = arith.constant 0 : i32
      %dma_start3A_389 = tpu.memref_slice %arg11[%add3A_371, %dma_start3A_388] : memref<256x32xf32, #tpu.memory_space<vmem>> -> memref<1x32xf32, #tpu.memory_space<vmem>>
      %dma_start3A_390 = arith.constant 0 : i32
      %dma_start3A_391 = tpu.memref_slice %arg5[%squeeze3A_383, %dma_start3A_390] : memref<1000000x32xf32, #tpu.memory_space<hbm>> -> memref<1x32xf32, #tpu.memory_space<hbm>>
      tpu.enqueue_dma source(%dma_start3A_391 : memref<1x32xf32, #tpu.memory_space<hbm>>) target(%dma_start3A_389 : memref<1x32xf32, #tpu.memory_space<vmem>>) target_semaphore(%arg13 : memref<!tpu.dma_semaphore, #tpu.memory_space<semaphore_mem>>)
      %mul3A_392 = arith.constant 16 : i32
      %mul3A_393 = arith.muli %scan3A_45, %mul3A_392 : i32
      %add3A_394 = arith.constant 14 : i32
      %add3A_395 = arith.addi %mul3A_393, %add3A_394 : i32
      %slice3A_396 = vector.extract_strided_slice %get3A_51 {offsets = [14], sizes = [1], strides = [1]} : vector<16xi32> to vector<1xi32>
      %squeeze3A_397 = vector.extract %slice3A_396[0] : i32 from vector<1xi32>
      %dma_start3A_398 = arith.constant 0 : i32
      %dma_start3A_399 = tpu.memref_slice %arg10[%add3A_395, %dma_start3A_398] : memref<256x32xf32, #tpu.memory_space<vmem>> -> memref<1x32xf32, #tpu.memory_space<vmem>>
      %dma_start3A_400 = arith.constant 0 : i32
      %dma_start3A_401 = tpu.memref_slice %arg4[%squeeze3A_397, %dma_start3A_400] : memref<1000000x32xf32, #tpu.memory_space<hbm>> -> memref<1x32xf32, #tpu.memory_space<hbm>>
      %dma_start3A_402 = arith.constant 0 : i32
      %dma_start3A_403 = tpu.memref_slice %arg10[%add3A_395, %dma_start3A_402] : memref<256x32xf32, #tpu.memory_space<vmem>> -> memref<1x32xf32, #tpu.memory_space<vmem>>
      %dma_start3A_404 = arith.constant 0 : i32
      %dma_start3A_405 = tpu.memref_slice %arg4[%squeeze3A_397, %dma_start3A_404] : memref<1000000x32xf32, #tpu.memory_space<hbm>> -> memref<1x32xf32, #tpu.memory_space<hbm>>
      tpu.enqueue_dma source(%dma_start3A_405 : memref<1x32xf32, #tpu.memory_space<hbm>>) target(%dma_start3A_403 : memref<1x32xf32, #tpu.memory_space<vmem>>) target_semaphore(%arg12 : memref<!tpu.dma_semaphore, #tpu.memory_space<semaphore_mem>>)
      %slice3A_406 = vector.extract_strided_slice %get3A_58 {offsets = [14], sizes = [1], strides = [1]} : vector<16xi32> to vector<1xi32>
      %squeeze3A_407 = vector.extract %slice3A_406[0] : i32 from vector<1xi32>
      %dma_start3A_408 = arith.constant 0 : i32
      %dma_start3A_409 = tpu.memref_slice %arg11[%add3A_395, %dma_start3A_408] : memref<256x32xf32, #tpu.memory_space<vmem>> -> memref<1x32xf32, #tpu.memory_space<vmem>>
      %dma_start3A_410 = arith.constant 0 : i32
      %dma_start3A_411 = tpu.memref_slice %arg5[%squeeze3A_407, %dma_start3A_410] : memref<1000000x32xf32, #tpu.memory_space<hbm>> -> memref<1x32xf32, #tpu.memory_space<hbm>>
      %dma_start3A_412 = arith.constant 0 : i32
      %dma_start3A_413 = tpu.memref_slice %arg11[%add3A_395, %dma_start3A_412] : memref<256x32xf32, #tpu.memory_space<vmem>> -> memref<1x32xf32, #tpu.memory_space<vmem>>
      %dma_start3A_414 = arith.constant 0 : i32
      %dma_start3A_415 = tpu.memref_slice %arg5[%squeeze3A_407, %dma_start3A_414] : memref<1000000x32xf32, #tpu.memory_space<hbm>> -> memref<1x32xf32, #tpu.memory_space<hbm>>
      tpu.enqueue_dma source(%dma_start3A_415 : memref<1x32xf32, #tpu.memory_space<hbm>>) target(%dma_start3A_413 : memref<1x32xf32, #tpu.memory_space<vmem>>) target_semaphore(%arg13 : memref<!tpu.dma_semaphore, #tpu.memory_space<semaphore_mem>>)
      %mul3A_416 = arith.constant 16 : i32
      %mul3A_417 = arith.muli %scan3A_45, %mul3A_416 : i32
      %add3A_418 = arith.constant 15 : i32
      %add3A_419 = arith.addi %mul3A_417, %add3A_418 : i32
      %slice3A_420 = vector.extract_strided_slice %get3A_51 {offsets = [15], sizes = [1], strides = [1]} : vector<16xi32> to vector<1xi32>
      %squeeze3A_421 = vector.extract %slice3A_420[0] : i32 from vector<1xi32>
      %dma_start3A_422 = arith.constant 0 : i32
      %dma_start3A_423 = tpu.memref_slice %arg10[%add3A_419, %dma_start3A_422] : memref<256x32xf32, #tpu.memory_space<vmem>> -> memref<1x32xf32, #tpu.memory_space<vmem>>
      %dma_start3A_424 = arith.constant 0 : i32
      %dma_start3A_425 = tpu.memref_slice %arg4[%squeeze3A_421, %dma_start3A_424] : memref<1000000x32xf32, #tpu.memory_space<hbm>> -> memref<1x32xf32, #tpu.memory_space<hbm>>
      %dma_start3A_426 = arith.constant 0 : i32
      %dma_start3A_427 = tpu.memref_slice %arg10[%add3A_419, %dma_start3A_426] : memref<256x32xf32, #tpu.memory_space<vmem>> -> memref<1x32xf32, #tpu.memory_space<vmem>>
      %dma_start3A_428 = arith.constant 0 : i32
      %dma_start3A_429 = tpu.memref_slice %arg4[%squeeze3A_421, %dma_start3A_428] : memref<1000000x32xf32, #tpu.memory_space<hbm>> -> memref<1x32xf32, #tpu.memory_space<hbm>>
      tpu.enqueue_dma source(%dma_start3A_429 : memref<1x32xf32, #tpu.memory_space<hbm>>) target(%dma_start3A_427 : memref<1x32xf32, #tpu.memory_space<vmem>>) target_semaphore(%arg12 : memref<!tpu.dma_semaphore, #tpu.memory_space<semaphore_mem>>)
      %slice3A_430 = vector.extract_strided_slice %get3A_58 {offsets = [15], sizes = [1], strides = [1]} : vector<16xi32> to vector<1xi32>
      %squeeze3A_431 = vector.extract %slice3A_430[0] : i32 from vector<1xi32>
      %dma_start3A_432 = arith.constant 0 : i32
      %dma_start3A_433 = tpu.memref_slice %arg11[%add3A_419, %dma_start3A_432] : memref<256x32xf32, #tpu.memory_space<vmem>> -> memref<1x32xf32, #tpu.memory_space<vmem>>
      %dma_start3A_434 = arith.constant 0 : i32
      %dma_start3A_435 = tpu.memref_slice %arg5[%squeeze3A_431, %dma_start3A_434] : memref<1000000x32xf32, #tpu.memory_space<hbm>> -> memref<1x32xf32, #tpu.memory_space<hbm>>
      %dma_start3A_436 = arith.constant 0 : i32
      %dma_start3A_437 = tpu.memref_slice %arg11[%add3A_419, %dma_start3A_436] : memref<256x32xf32, #tpu.memory_space<vmem>> -> memref<1x32xf32, #tpu.memory_space<vmem>>
      %dma_start3A_438 = arith.constant 0 : i32
      %dma_start3A_439 = tpu.memref_slice %arg5[%squeeze3A_431, %dma_start3A_438] : memref<1000000x32xf32, #tpu.memory_space<hbm>> -> memref<1x32xf32, #tpu.memory_space<hbm>>
      tpu.enqueue_dma source(%dma_start3A_439 : memref<1x32xf32, #tpu.memory_space<hbm>>) target(%dma_start3A_437 : memref<1x32xf32, #tpu.memory_space<vmem>>) target_semaphore(%arg13 : memref<!tpu.dma_semaphore, #tpu.memory_space<semaphore_mem>>)
    }
    %scan3A_28 = arith.constant 16 : i32
    %dma_wait3A_29 = arith.constant 0 : i32
    %dma_wait3A_30 = arith.constant 0 : i32
    %dma_wait3A_31 = tpu.memref_slice %arg4[%dma_wait3A_29, %dma_wait3A_30] : memref<1000000x32xf32, #tpu.memory_space<hbm>> -> memref<256x32xf32, #tpu.memory_space<hbm>>
    %dma_wait3A_32 = arith.constant 0 : i32
    %dma_wait3A_33 = arith.constant 0 : i32
    %dma_wait3A_34 = tpu.memref_slice %arg4[%dma_wait3A_32, %dma_wait3A_33] : memref<1000000x32xf32, #tpu.memory_space<hbm>> -> memref<256x32xf32, #tpu.memory_space<hbm>>
    tpu.wait_dma2 semaphore(%arg12 : memref<!tpu.dma_semaphore, #tpu.memory_space<semaphore_mem>>) src(%dma_wait3A_34 : memref<256x32xf32, #tpu.memory_space<hbm>>) dst(%arg10 : memref<256x32xf32, #tpu.memory_space<vmem>>)
    %add3A_35 = arith.constant 256 : i32
    %add3A_36 = arith.addi %mul3A_2, %add3A_35 : i32
    "tpu.region"() ({
      %run_scoped3A = tpu.sem_alloc : memref<!tpu.dma_semaphore, #tpu.memory_space<semaphore_mem>>
      %dma_start3A = arith.constant 0 : i32
      %dma_start3A_45 = tpu.memref_slice %arg6[%add3A_36, %dma_start3A] : memref<16384x32xf32, #tpu.memory_space<hbm>> -> memref<256x32xf32, #tpu.memory_space<hbm>>
      %dma_start3A_46 = arith.constant 0 : i32
      %dma_start3A_47 = tpu.memref_slice %arg6[%add3A_36, %dma_start3A_46] : memref<16384x32xf32, #tpu.memory_space<hbm>> -> memref<256x32xf32, #tpu.memory_space<hbm>>
      tpu.enqueue_dma source(%arg10 : memref<256x32xf32, #tpu.memory_space<vmem>>) target(%dma_start3A_47 : memref<256x32xf32, #tpu.memory_space<hbm>>) target_semaphore(%run_scoped3A : memref<!tpu.dma_semaphore, #tpu.memory_space<semaphore_mem>>)
      %dma_wait3A_48 = arith.constant 0 : i32
      %dma_wait3A_49 = tpu.memref_slice %arg6[%add3A_36, %dma_wait3A_48] : memref<16384x32xf32, #tpu.memory_space<hbm>> -> memref<256x32xf32, #tpu.memory_space<hbm>>
      %dma_wait3A_50 = arith.constant 0 : i32
      %dma_wait3A_51 = tpu.memref_slice %arg6[%add3A_36, %dma_wait3A_50] : memref<16384x32xf32, #tpu.memory_space<hbm>> -> memref<256x32xf32, #tpu.memory_space<hbm>>
      tpu.wait_dma2 semaphore(%run_scoped3A : memref<!tpu.dma_semaphore, #tpu.memory_space<semaphore_mem>>) src(%arg10 : memref<256x32xf32, #tpu.memory_space<vmem>>) dst(%dma_wait3A_51 : memref<256x32xf32, #tpu.memory_space<hbm>>)
      tpu.yield
    }) : () -> ()
    %dma_wait3A_37 = arith.constant 0 : i32
    %dma_wait3A_38 = arith.constant 0 : i32
    %dma_wait3A_39 = tpu.memref_slice %arg5[%dma_wait3A_37, %dma_wait3A_38] : memref<1000000x32xf32, #tpu.memory_space<hbm>> -> memref<256x32xf32, #tpu.memory_space<hbm>>
    %dma_wait3A_40 = arith.constant 0 : i32
    %dma_wait3A_41 = arith.constant 0 : i32
    %dma_wait3A_42 = tpu.memref_slice %arg5[%dma_wait3A_40, %dma_wait3A_41] : memref<1000000x32xf32, #tpu.memory_space<hbm>> -> memref<256x32xf32, #tpu.memory_space<hbm>>
    tpu.wait_dma2 semaphore(%arg13 : memref<!tpu.dma_semaphore, #tpu.memory_space<semaphore_mem>>) src(%dma_wait3A_42 : memref<256x32xf32, #tpu.memory_space<hbm>>) dst(%arg11 : memref<256x32xf32, #tpu.memory_space<vmem>>)
    %add3A_43 = arith.constant 256 : i32
    %add3A_44 = arith.addi %mul3A_2, %add3A_43 : i32
    "tpu.region"() ({
      %run_scoped3A = tpu.sem_alloc : memref<!tpu.dma_semaphore, #tpu.memory_space<semaphore_mem>>
      %dma_start3A = arith.constant 0 : i32
      %dma_start3A_45 = tpu.memref_slice %arg7[%add3A_44, %dma_start3A] : memref<16384x32xf32, #tpu.memory_space<hbm>> -> memref<256x32xf32, #tpu.memory_space<hbm>>
      %dma_start3A_46 = arith.constant 0 : i32
      %dma_start3A_47 = tpu.memref_slice %arg7[%add3A_44, %dma_start3A_46] : memref<16384x32xf32, #tpu.memory_space<hbm>> -> memref<256x32xf32, #tpu.memory_space<hbm>>
      tpu.enqueue_dma source(%arg11 : memref<256x32xf32, #tpu.memory_space<vmem>>) target(%dma_start3A_47 : memref<256x32xf32, #tpu.memory_space<hbm>>) target_semaphore(%run_scoped3A : memref<!tpu.dma_semaphore, #tpu.memory_space<semaphore_mem>>)
      %dma_wait3A_48 = arith.constant 0 : i32
      %dma_wait3A_49 = tpu.memref_slice %arg7[%add3A_44, %dma_wait3A_48] : memref<16384x32xf32, #tpu.memory_space<hbm>> -> memref<256x32xf32, #tpu.memory_space<hbm>>
      %dma_wait3A_50 = arith.constant 0 : i32
      %dma_wait3A_51 = tpu.memref_slice %arg7[%add3A_44, %dma_wait3A_50] : memref<16384x32xf32, #tpu.memory_space<hbm>> -> memref<256x32xf32, #tpu.memory_space<hbm>>
      tpu.wait_dma2 semaphore(%run_scoped3A : memref<!tpu.dma_semaphore, #tpu.memory_space<semaphore_mem>>) src(%arg11 : memref<256x32xf32, #tpu.memory_space<vmem>>) dst(%dma_wait3A_51 : memref<256x32xf32, #tpu.memory_space<hbm>>)
      tpu.yield
    }) : () -> ()
    return
  }
}

module attributes {stable_mosaic.version = 14 : i64} {
  func.func @_tc_body(%arg0: i32, %arg1: memref<2048x32xf32, #tpu.memory_space<vmem>>, %arg2: memref<2048x32xf32, #tpu.memory_space<vmem>>, %arg3: memref<96x64xf32, #tpu.memory_space<vmem>>, %arg4: memref<1x64xf32, #tpu.memory_space<vmem>>, %arg5: memref<1x64xf32, #tpu.memory_space<vmem>>, %arg6: memref<1x1xf32, #tpu.memory_space<vmem>>, %arg7: memref<2048xf32, #tpu.memory_space<vmem>>, %arg8: memref<2048xf32, #tpu.memory_space<vmem>>) attributes {dimension_semantics = [#tpu.dimension_semantics<arbitrary>], iteration_bounds = array<i64: 8>, scalar_prefetch = 0 : i64, scratch_operands = 0 : i64, tpu.core_type = #tpu.core_type<tc>, window_params = [{transform_indices = @transform_0, window_bounds = array<i64: 2048, 32>}, {transform_indices = @transform_1, window_bounds = array<i64: 2048, 32>}, {pipeline_mode = #tpu.pipeline_mode<synchronous>, transform_indices = @transform_2, window_bounds = array<i64: 96, 64>}, {pipeline_mode = #tpu.pipeline_mode<synchronous>, transform_indices = @transform_3, window_bounds = array<i64: 1, 64>}, {pipeline_mode = #tpu.pipeline_mode<synchronous>, transform_indices = @transform_4, window_bounds = array<i64: 1, 64>}, {pipeline_mode = #tpu.pipeline_mode<synchronous>, transform_indices = @transform_5, window_bounds = array<i64: 1, 1>}, {transform_indices = @transform_6, window_bounds = array<i64: 2048>}, {transform_indices = @transform_7, window_bounds = array<i64: 2048>}]} {
    %get3A = arith.constant 0 : index
    %get3A_0 = arith.constant 0 : index
    %get3A_1 = vector.load %arg1[%get3A, %get3A_0] : memref<2048x32xf32, #tpu.memory_space<vmem>>, vector<2048x32xf32>
    %get3A_2 = arith.constant 0 : index
    %get3A_3 = arith.constant 0 : index
    %get3A_4 = vector.load %arg2[%get3A_2, %get3A_3] : memref<2048x32xf32, #tpu.memory_space<vmem>>, vector<2048x32xf32>
    %mul3A = arith.mulf %get3A_1, %get3A_4 : vector<2048x32xf32>
    %reduce_sum3A = arith.constant dense<0.000000e+00> : vector<2048xf32>
    %reduce_sum3A_5 = vector.multi_reduction <add>, %mul3A, %reduce_sum3A [1] : vector<2048x32xf32> to vector<2048xf32>
    %swap3A = arith.constant 0 : index
    %swap3A_6 = vector.load %arg7[%swap3A] : memref<2048xf32, #tpu.memory_space<vmem>>, vector<2048xf32>
    tpu.vector_store %arg7[%swap3A], %reduce_sum3A_5 {strides = array<i32>} : memref<2048xf32, #tpu.memory_space<vmem>>, vector<2048xf32>,
    %concatenate3A = tpu.concatenate %get3A_1, %get3A_4, %mul3A in 1 : vector<2048x32xf32>, vector<2048x32xf32>, vector<2048x32xf32> -> vector<2048x96xf32>
    %get3A_7 = arith.constant 0 : index
    %get3A_8 = arith.constant 0 : index
    %get3A_9 = vector.load %arg3[%get3A_7, %get3A_8] : memref<96x64xf32, #tpu.memory_space<vmem>>, vector<96x64xf32>
    %dot_general3A = arith.constant dense<0.000000e+00> : vector<2048x64xf32>
    %dot_general3A_10 = tpu.matmul %concatenate3A, %get3A_9, %dot_general3A {dimension_numbers = #tpu.dot_dimension_numbers<[1], [0], [0], [1], [0, 0, 1, 1], [], []>, precision = #tpu.contract_precision<fp32>, transpose_lhs_hint = false} : vector<2048x96xf32>, vector<96x64xf32>, vector<2048x64xf32> -> vector<2048x64xf32>
    %get3A_11 = arith.constant 0 : index
    %get3A_12 = arith.constant 0 : index
    %get3A_13 = vector.load %arg4[%get3A_11, %get3A_12] : memref<1x64xf32, #tpu.memory_space<vmem>>, vector<1x64xf32>
    %add3A = vector.broadcast %get3A_13 : vector<1x64xf32> to vector<2048x64xf32>
    %add3A_14 = arith.addf %dot_general3A_10, %add3A : vector<2048x64xf32>
    %max3A = arith.constant 0.000000e+00 : f32
    %max3A_15 = vector.broadcast %max3A : f32 to vector<2048x64xf32>
    %max3A_16 = arith.maximumf %add3A_14, %max3A_15 : vector<2048x64xf32>
    %get3A_17 = arith.constant 0 : index
    %get3A_18 = arith.constant 0 : index
    %get3A_19 = vector.load %arg5[%get3A_17, %get3A_18] : memref<1x64xf32, #tpu.memory_space<vmem>>, vector<1x64xf32>
    %mul3A_20 = vector.broadcast %get3A_19 : vector<1x64xf32> to vector<2048x64xf32>
    %mul3A_21 = arith.mulf %max3A_16, %mul3A_20 : vector<2048x64xf32>
    %reduce_sum3A_22 = arith.constant dense<0.000000e+00> : vector<2048xf32>
    %reduce_sum3A_23 = vector.multi_reduction <add>, %mul3A_21, %reduce_sum3A_22 [1] : vector<2048x64xf32> to vector<2048xf32>
    %get3A_24 = arith.constant 0 : index
    %get3A_25 = arith.constant 0 : index
    %get3A_26 = vector.load %arg6[%get3A_24, %get3A_25] : memref<1x1xf32, #tpu.memory_space<vmem>>, vector<1x1xf32>
    %get3A_27 = vector.extract %get3A_26[0, 0] : f32 from vector<1x1xf32>
    %add3A_28 = vector.broadcast %get3A_27 : f32 to vector<2048xf32>
    %add3A_29 = arith.addf %reduce_sum3A_23, %add3A_28 : vector<2048xf32>
    %swap3A_30 = arith.constant 0 : index
    %swap3A_31 = vector.load %arg8[%swap3A_30] : memref<2048xf32, #tpu.memory_space<vmem>>, vector<2048xf32>
    tpu.vector_store %arg8[%swap3A_30], %add3A_29 {strides = array<i32>} : memref<2048xf32, #tpu.memory_space<vmem>>, vector<2048xf32>,
    return
  }
  func.func @transform_0(%arg0: i32) -> (i32, i32) {
    %c0_i32 = arith.constant 0 : i32
    %c0_i32_0 = arith.constant 0 : i32
    return %arg0, %c0_i32 : i32, i32
  }
  func.func @transform_1(%arg0: i32) -> (i32, i32) {
    %c0_i32 = arith.constant 0 : i32
    %c0_i32_0 = arith.constant 0 : i32
    return %arg0, %c0_i32 : i32, i32
  }
  func.func @transform_2(%arg0: i32) -> (i32, i32) {
    %c0_i32 = arith.constant 0 : i32
    %c0_i32_0 = arith.constant 0 : i32
    %c0_i32_1 = arith.constant 0 : i32
    return %c0_i32, %c0_i32_0 : i32, i32
  }
  func.func @transform_3(%arg0: i32) -> (i32, i32) {
    %c0_i32 = arith.constant 0 : i32
    %c0_i32_0 = arith.constant 0 : i32
    %c0_i32_1 = arith.constant 0 : i32
    return %c0_i32, %c0_i32_0 : i32, i32
  }
  func.func @transform_4(%arg0: i32) -> (i32, i32) {
    %c0_i32 = arith.constant 0 : i32
    %c0_i32_0 = arith.constant 0 : i32
    %c0_i32_1 = arith.constant 0 : i32
    return %c0_i32, %c0_i32_0 : i32, i32
  }
  func.func @transform_5(%arg0: i32) -> (i32, i32) {
    %c0_i32 = arith.constant 0 : i32
    %c0_i32_0 = arith.constant 0 : i32
    %c0_i32_1 = arith.constant 0 : i32
    return %c0_i32, %c0_i32_0 : i32, i32
  }
  func.func @transform_6(%arg0: i32) -> i32 {
    %c0_i32 = arith.constant 0 : i32
    return %arg0 : i32
  }
  func.func @transform_7(%arg0: i32) -> i32 {
    %c0_i32 = arith.constant 0 : i32
    return %arg0 : i32
  }
}

</mosaic_0001>

<sc_bundles>
// kernel: kernel.4.cloned.1.call-start
scs
__scs_entry_jumppad:
0x0: {  	(pc) =	sbr.rel $0x88, $3  }
0x1: {  	(tag) =	ssettag $0x0;
	lr =	simm.s32 $0x1  }
0x2: {  	[smem:$0x3F99] =	sst lr;
	_ =	strace $0xD0000000  }
0x3: {  	_ = 	snop  }
0x4: {  	_ = 	snop  }
0x5: {  	_ = 	snop  }
0x6: {  	_ = 	snop  }
0x7: {  	_ = 	snop  }
__scs_overlays_trampoline_lowered:
0x8: {  	[smem:$0x3FA8] =	sst s0  }
0x9: {  	[smem:$0x3FA9] =	sst s1  }
0xa: {  	[smem:$0x3FAA] =	sst s2  }
0xb: {  	[smem:$0x3FAB] =	sst s3  }
0xc: {  	[smem:$0x3FAC] =	sst s4  }
0xd: {  	[smem:$0x3FAD] =	sst s5  }
0xe: {  	[smem:$0x3FAE] =	sst s6  }
0xf: {  	[smem:$0x3FAF] =	sst s7  }
0x10: {  	[smem:$0x3FB0] =	sst s8  }
0x11: {  	[smem:$0x3FB1] =	sst s9;
	s0 =	simm.s32 @!p0 $0x0  }
0x12: {  	s1 =	sld [smem:$0x3F97];
	s0 =	simm.s32 @p0 $0x1  }
0x13: {  	[smem:$0x3FB2] =	sst s0;
	s0 =	simm.s32 @!p1 $0x0  }
0x14: {  	s2 =	sld [smem:$0x3F96];
	s0 =	simm.s32 @p1 $0x1  }
0x15: {  	[smem:$0x3FB3] =	sst s0;
	s0 =	simm.s32 @!p2 $0x0  }
0x16: {  	s3 =	sld [smem:$0x3FDB];
	s0 =	simm.s32 @p2 $0x1  }
0x17: {  	s4 =	simm.s32 $0x1BF5;
	[smem:$0x3FB5] =	sst s0  }
0x18: {  	s0 =	sld [smem:$0x3F98];
	_ =	swait.ge [sflag:s4], $0x0  }
0x19: {  	s7 =	sld [smem:$0x3F99]  }
0x1a: {  	s8 =	sadd.s32 $0xFFFFE003, lr  }
0x1b: {  	s9 =	sadd.s32 $0xFFFFFEF7, lr;
	s5 =	simm.s32 $0xFFFFFFFF;
	p2 =	slt.u32 s8, $0xFFFFF086  }
0x1c: {  	p1 =	slt.u32 s9, $0xF7A;
	s5 =	simm.s32 @!p2 $0x0  }
0x1d: {  	s5 =	simm.s32 @p1 $0x1;
	p0 =	seq.s32 s7, s2  }
0x1e: {  	s7 =	smul.u32 @!p0 $0xF7A, s2;
	p2 =	seq.s32 @!p0 s5, $0x0  }
0x1f: {  	s9 =	smul.u32 $0xF7A, s1;
	s8 =	simm.s32 @!p0 $0x1BF5;
	p2 =	por !p2, p0  }
0x20: {  	[sflag:s8] =	ssyncset.s32 @!p0 $0xFFFFF086;
	s6 =	sadd.s32 @!p0 s3, s7;
	s7 =	simm.s32 @!p0 $0x108  }
0x21: {  	s3 =	sadd.s32 s3, s9;
	s6 =	sadd.s32 @!p0 $0x88, s6;
	s7 =	simm.s32 @p2 $0x1082  }
0x22: {  	[simem:s7], [sflag:s8] =	dma.local @!p0 [hbm:s6], $0xF7A  }
0x23: {  	s9 =	sor.u32 $0xD0000000, s2;
	s6 =	simm.s32 $0x108;
	_ =	swait.ge @!p0 [sflag:s8], $0x0  }
0x24: {  	s3 =	sadd.s32 $0x88, s3;
	s6 =	simm.s32 @!p1 $0x1082;
	[sflag:s4] =	ssyncset.s32 $0xFFFFF086  }
0x25: {  	[simem:s6], [sflag:s4] =	dma.local [hbm:s3], $0xF7A  }
0x26: {  	[smem:$0x3F99] =	sst s1;
	(tag) =	ssettag s2;
	_ =	strace s9  }
0x27: {  	s1 =	sld [smem:$0x3FA9]  }
0x28: {  	s2 =	sld [smem:$0x3FAA]  }
0x29: {  	s4 =	sld [smem:$0x3FAC]  }
0x2a: {  	p0 =	seq.s32 s5, $0x0;
	s5 =	sld [smem:$0x3FAD]  }
0x2b: {  	s6 =	sld [smem:$0x3FAE]  }
0x2c: {  	s7 =	sld [smem:$0x3FAF]  }
0x2d: {  	s3 =	simm.s32 $0x108;
	s8 =	sld [smem:$0x3FB0]  }
0x2e: {  	s3 =	simm.s32 @!p0 $0x1082;
	s9 =	sld [smem:$0x3FB1]  }
0x2f: {  	lr =	sadd.s32 s0, s3;
	s0 =	sld [smem:$0x3FA8]  }
0x30: {  	s3 =	sld [smem:$0x3FAB]  }
0x31: {  	[smem:$0x3FB4] =	sst s10  }
0x32: {  	s10 =	sld [smem:$0x3FB2];
	_ =	sdelay $0x3  }
0x33: {  	p0 =	seq.s32 s10, $0x1;
	s10 =	sld [smem:$0x3FB4];
	_ =	sdelay $0x3  }
0x34: {  	[smem:$0x3FB4] =	sst s10  }
0x35: {  	s10 =	sld [smem:$0x3FB3];
	_ =	sdelay $0x3  }
0x36: {  	p1 =	seq.s32 s10, $0x1;
	s10 =	sld [smem:$0x3FB4];
	_ =	sdelay $0x3  }
0x37: {  	[smem:$0x3FB4] =	sst s10  }
0x38: {  	s10 =	sld [smem:$0x3FB5]  }
0x39: {  	_ = 	snop;
	(pc) =	sbr.ind lr, $3  }
0x3a: {  	_ = 	snop  }
0x3b: {  	_ = 	snop  }
0x3c: {  	p2 =	seq.s32 s10, $0x1;
	s10 =	sld [smem:$0x3FB4]  }
0x3d: {  	_ =	shalt  }
0x3e: {  	_ =	shalt  }
0x3f: {  	_ =	shalt  }
0x40: {  	_ =	shalt  }
0x41: {  	_ =	shalt  }
0x42: {  	_ =	shalt  }
0x43: {  	_ =	shalt  }
0x44: {  	_ =	shalt  }
0x45: {  	_ =	shalt  }
0x46: {  	_ =	shalt  }
0x47: {  	_ =	shalt  }
0x48: {  	_ =	shalt  }
0x49: {  	_ =	shalt  }
0x4a: {  	_ =	shalt  }
0x4b: {  	_ =	shalt  }
0x4c: {  	_ =	shalt  }
0x4d: {  	_ =	shalt  }
0x4e: {  	_ =	shalt  }
0x4f: {  	_ =	shalt  }
0x50: {  	_ =	shalt  }
0x51: {  	_ =	shalt  }
0x52: {  	_ =	shalt  }
0x53: {  	_ =	shalt  }
0x54: {  	_ =	shalt  }
0x55: {  	_ =	shalt  }
0x56: {  	_ =	shalt  }
0x57: {  	_ =	shalt  }
0x58: {  	_ =	shalt  }
0x59: {  	_ =	shalt  }
0x5a: {  	_ =	shalt  }
0x5b: {  	_ =	shalt  }
0x5c: {  	_ =	shalt  }
0x5d: {  	_ =	shalt  }
0x5e: {  	_ =	shalt  }
0x5f: {  	_ =	shalt  }
0x60: {  	_ =	shalt  }
0x61: {  	_ =	shalt  }
0x62: {  	_ =	shalt  }
0x63: {  	_ =	shalt  }
0x64: {  	_ =	shalt  }
0x65: {  	_ =	shalt  }
0x66: {  	_ =	shalt  }
0x67: {  	_ =	shalt  }
0x68: {  	_ =	shalt  }
0x69: {  	_ =	shalt  }
0x6a: {  	_ =	shalt  }
0x6b: {  	_ =	shalt  }
0x6c: {  	_ =	shalt  }
0x6d: {  	_ =	shalt  }
0x6e: {  	_ =	shalt  }
0x6f: {  	_ =	shalt  }
0x70: {  	_ =	shalt  }
0x71: {  	_ =	shalt  }
0x72: {  	_ =	shalt  }
0x73: {  	_ =	shalt  }
0x74: {  	_ =	shalt  }
0x75: {  	_ =	shalt  }
0x76: {  	_ =	shalt  }
0x77: {  	_ =	shalt  }
0x78: {  	_ =	shalt  }
0x79: {  	_ =	shalt  }
0x7a: {  	_ =	shalt  }
0x7b: {  	_ =	shalt  }
0x7c: {  	_ =	shalt  }
0x7d: {  	_ =	shalt  }
0x7e: {  	_ =	shalt  }
0x7f: {  	_ =	shalt  }
0x80: {  	_ =	shalt  }
0x81: {  	_ =	shalt  }
0x82: {  	_ =	shalt  }
0x83: {  	_ =	shalt  }
0x84: {  	_ =	shalt  }
0x85: {  	_ =	shalt  }
0x86: {  	_ =	shalt  }
0x87: {  	_ =	shalt  }
.Lfunc_end0:
.L_simem_size_0:
called_computation_lowered:
.L_overlay_start_0:
0x88: {  	s2 =	sld [smem:$0x3FD9]  }
0x89: {  	s3 =	sld [smem:$0x3FFE];
	_ =	sdelay $0x1  }
0x8a: {  	s1 =	srdreg.scid  }
0x8b: {  	s0 =	sand.u32 $0x1, s1  }
0x8c: {  	s17 =	sshll.u32 s0, $0xA;
	s2 =	sadd.s32 s3, s2  }
0x8d: {  	s2 =	sadd.s32 s2, s17  }
0x8e: {  	[smem:$0x3FC0] =	sst s2  }
0x8f: {  	_ = 	snop  }
0x90: {  	s2 =	sld [smem:$0x3FC9]  }
0x91: {  	s18 =	sld [smem:$0x3FC8];
	(tm) =	ssettm $0x1  }
0x92: {  	s4 =	sld [smem:$0x3FFB];
	_ =	sdelay $0x3  }
0x93: {  	_ =	strace s4  }
0x94: {  	s4 =	sld [smem:$0x3FFC];
	_ =	sdelay $0x3  }
0x95: {  	_ =	strace s4  }
0x96: {  	s4 =	sld [smem:$0x3FFD];
	_ =	sdelay $0x3  }
0x97: {  	_ =	strace s4  }
0x98: {  	_ =	strace $0x8FFFFFFF  }
0x99: {  	s19 =	sld [smem:$0x3FDB];
	_ =	sdelay $0x1  }
0x9a: {  	s5 =	simm.s32 $_scs_section_size  }
0x9b: {  	s6 =	simm.s32 $_size__tile_overlayer_lowered;
	s7 =	simm.s32 $_tile_overlayer_lowered  }
0x9c: {  	s22 =	simm.s32 $0x1BFF;
	s21 =	sshll.u32 s7, $0x1;
	s4 =	sadd.s32 s5, s19  }
0x9d: {  	s8 =	simm.s32 $0x0;
	s20 =	sshll.u32 s6, $0x1;
	s6 =	sadd.s32 s21, s4  }
0x9e: {  	[timem:s8], [sflag:s22] =	dma.local [hbm:s6], s20  }
0x9f: {  	_ =	swait.ge [sflag:s22], s20  }
0xa0: {  	s5 =	ssub.s32 $0x0, s20;
	[sflag:s22] =	ssyncset.done $0x0  }
0xa1: {  	[sflag:s22] =	ssyncadd.s32 s5;
	_ =	sdelay $0x1  }
0xa2: {  	s23 =	simm.s32 $0x1B8B  }
0xa3: {  	_ =	swait.ge [sflag:s23], $0x1  }
0xa4: {  	[sflag:s23] =	ssyncset.done $0x0  }
0xa5: {  	s25 =	simm.s32 $0x1B8E;
	s24 =	sld [smem:$0x3FFE];
	[sflag:s23] =	ssyncadd.s32 $0xFFFFFFFF  }
0xa6: {  	s26 =	simm.s32 $execute0_lowered;
	[smem:$0x3FD2] =	sst s25  }
0xa7: {  	s6 =	sshll.u32 s26, $0x1;
	_ =	strace $0x80000046;
	[dreg:$0x1] =	wrdreg $0xFFFFFFFF  }
0xa8: {  	s28 =	simm.s32 $_size_execute0_lowered;
	s4 =	sadd.s32 s4, s6;
	[dreg:$0x0] =	wrdreg $0x0  }
0xa9: {  	s6 =	sshll.u32 s28, $0x1;
	[dreg:$0x2] =	wrdreg s4  }
0xaa: {  	[dreg:$0x3] =	wrdreg s6  }
0xab: {  	[dreg:$0x4] =	wrdreg $0xC0  }
0xac: {  	_ =	task [dreg:s8], $0x5FFFF  }
0xad: {  	[dreg:$0x1] =	wrdreg $0xFFFFFFFF  }
0xae: {  	[dreg:$0x0] =	wrdreg $0x60  }
0xaf: {  	[dreg:$0x2] =	wrdreg s2  }
0xb0: {  	[dreg:$0x3] =	wrdreg s18  }
0xb1: {  	[dreg:$0x4] =	wrdreg s24  }
0xb2: {  	[dreg:$0x5] =	wrdreg $0x9  }
0xb3: {  	_ =	task.clear_ibuf [dreg:s8], $0x6FFFF;
	_ =	strace $0x90000046  }
0xb4: {  	s29 =	simm.s32 $0x9;
	_ =	strace $0x80000048  }
0xb5: {  	_ =	swait.ge [sflag:s29], $0x1  }
0xb6: {  	[sflag:s29] =	ssyncadd.s32 $0xFFFFFFFF  }
0xb7: {  	_ =	strace $0x90000048  }
0xb8: {  	_ =	sfence  }
0xb9: {  	s30 =	sld [smem:$0x0];
	_ =	sdelay $0x2  }
0xba: {  	s31 =	sshll.u32 s1, $0xD;
	s1 =	sshrl.u32 s1, $0x2  }
0xbb: {  	s3 =	sand.u32 $0x4000, s31;
	s1 =	sadd.s32 s1, s30  }
0xbc: {  	s0 =	sor.u32 s3, s0;
	s1 =	sshll.u32 s1, $0x11  }
0xbd: {  	s0 =	sor.u32 s1, s0  }
0xbe: {  	s0 =	sadd.s32 $0x8F2B, s0  }
0xbf: {  	[sflag:s0] =	ssyncadd.remote.s32 $0x1  }
0xc0: {  	_ =	sfence.sel $0xFFFF  }
0xc1: {  	[dreg:$0x0] =	wrdreg $0xFFFFFFFF;
	(pc) =	sbr.abs _section_cstart, $3  }
0xc2: {  	[dreg:$0x1] =	wrdreg $0xFFFFFFFF  }
0xc3: {  	_ =	task.clear_ibuf [dreg:s8], $0x2FFFF;
	_ =	strace $0x9FFFFFFF  }
0xc4: {  	(tm) =	ssettm $0x7FFFFFFF  }
0xc5: {  	_ =	shalt  }
tec
execute0_lowered:
.L_overlay_start_1:
0x0: {  	(tag) =	ssettag $0x1  }
0x1: {  	s0 =	rddreg [dreg:$0x0]  }
0x2: {  	s2 =	rddreg [dreg:$0x1]  }
0x3: {  	s5 =	rddreg [dreg:$0x2];
	s6 =	srdreg.scid  }
0x4: {  	s1 =	simm.s32 $0x0;
	s8 =	stileid.u32;
	s6 =	sand.u32 $0x1, s6  }
0x5: {  	s8 =	sshll.u32 s8, $0xA;
	s7 =	ssub.s32 $0x2, s6;
	s6 =	sshll.u32 s6, $0x9  }
0x6: {  	[smem:$0x7FF] =	sst s1;
	s3 =	sadd.s32 $0x1200, s5;
	s6 =	sor.u32 s6, s8  }
0x7: {  	s4 =	sadd.s32 $0xF43600, s5;
	s9 =	sadd.s32 $0x1E85A00, s5;
	s8 =	sshrl.u32 s6, $0x3  }
0x8: {  	s5 =	sadd.s32 $0x1EC5A00, s5;
	_ =	strace $0x80000047;
	s0 =	sadd.s32 s0, s8  }
0x9: {  	s26 =	sshll.u32 s6, $0x4;
	s25 =	sadd.s32 s2, s8;
	[dreg:$0x16] =	wrdreg s0  }
0xa: {  	s10 =	sshrl.u32 s7, $0x1;
	s28 =	sadd.s32 s9, s26;
	[dreg:$0x17] =	wrdreg s25  }
0xb: {  	s7 =	ssub.s32 s7, s10;
	s29 =	sadd.s32 s5, s26;
	[dreg:$0x18] =	wrdreg s28  }
0xc: {  	s31 =	smax.u32 s7, $0x1;
	[dreg:$0x19] =	wrdreg s29;
	s0 =	sor.u32 $0x1000, s26  }
0xd: {  	[dreg:$0x1c] =	wrdreg s31;
	s30 =	sadd.s32 s9, s0  }
0xe: {  	s0 =	sadd.s32 s5, s0;
	[dreg:$0x1a] =	wrdreg s30  }
0xf: {  	s2 =	simm.s32 $0x0;
	s5 =	simm.s32 $0x3;
	[dreg:$0x1b] =	wrdreg s0  }
.LBB2_1:
0x10: {  	[dreg:$0x1d] =	wrdreg s2  }
0x11: {  	s0 =	rddreg [dreg:$0x16]  }
0x12: {  	[tilespmem:s1], [sflag:$0x3] =	stream.linear.gather [hbm4b:s0+s1], $0x200, $0x38;
	[tilespmem:$0x10400] =	vst v63  }
0x13: {  	_ =	swait.ge [sflag:s5], $0x200  }
0x14: {  	[sflag:s5] =	ssyncset.done $0x0  }
0x15: {  	s12 =	simm.s32 $0x200;
	s13 =	rddreg [dreg:$0x17];
	[sflag:s5] =	ssyncadd.s32 $0xFFFFFE00  }
0x16: {  	[tilespmem:s12], [sflag:$0x3] =	stream.linear.gather [hbm4b:s13+s1], $0x200, $0x38;
	[tilespmem:$0x10400] =	vst v63  }
0x17: {  	_ =	swait.ge [sflag:s5], $0x200  }
0x18: {  	[sflag:s5] =	ssyncset.done $0x0  }
0x19: {  	[sflag:s5] =	ssyncadd.s32 $0xFFFFFE00  }
0x1a: {  	v0 =	vld [tilespmem:s1+$0x0]  }
0x1b: {  	v2 =	vld [tilespmem:s12+$0x0];
	_ =	sdelay $0x3  }
0x1c: {  	v1 =	vshll.u32 v0, $0x4  }
0x1d: {  	v63 =	vshll.u32 v2, $0x4;
	(v2sf) =	vpush v1, $0x0  }
0x1e: {  	(v2sf) =	vpush v63, $0x0;
	_ =	sdelay $0x2  }
0x1f: {  	(v2sf) =	vpush v1, $0x1  }
0x20: {  	(v2sf) =	vpush v63, $0x1;
	_ =	sdelay $0x1  }
0x21: {  	(v2sf) =	vpush v1, $0x2;
	_ =	sdelay $0x1  }
0x22: {  	(v2sf) =	vpush v63, $0x2;
	_ =	sdelay $0x1  }
0x23: {  	s19 =	simm.s32 $0x2000;
	(v2sf) =	vpush v1, $0x3  }
0x24: {  	s18 =	simm.s32 $0x0;
	s6 =	simm.s32 $0x8400;
	s2 =	simm.s32 $0x880  }
0x25: {  	s7 =	simm.s32 $0x400;
	s9 =	simm.s32 $0x600;
	s10 =	simm.s32 $0x580  }
0x26: {  	s16 =	simm.s32 $0x480;
	s21 =	simm.s32 $0x8480;
	s23 =	simm.s32 $0x500  }
0x27: {  	s26 =	simm.s32 $0x8500;
	s28 =	simm.s32 $0xA00;
	s8 =	spop (v2sf);
	(v2sf) =	vpush v63, $0x3  }
0x28: {  	s0 =	simm.s32 $0x8900;
	s8 =	sand.u32 $0x1FFFFFF0, s8;
	s11 =	spop (v2sf)  }
0x29: {  	s5 =	simm.s32 $0x680;
	(v2sf) =	vpush v1, $0x4;
	s8 =	sadd.s32 s3, s8;
	s14 =	sand.u32 $0x1FFFFFF0, s11  }
0x2a: {  	(v2sf) =	vpush v63, $0x4;
	[tilespmem:s7], [sflag:$0x1] =	stream.linear.gather [hbm4b:s8+s1], $0x80, $0x38;
	[tilespmem:$0x10400] =	vst v63  }
0x2b: {  	s15 =	spop (v2sf);
	s7 =	simm.s32 $0x8580;
	s8 =	sadd.s32 s4, s14  }
0x2c: {  	s11 =	sand.u32 $0x1FFFFFF0, s15;
	s12 =	spop (v2sf);
	s14 =	simm.s32 $0x8600  }
0x2d: {  	(v2sf) =	vpush v1, $0x5;
	[tilespmem:s6], [sflag:$0x2] =	stream.linear.gather [hbm4b:s8+s1], $0x80, $0x38;
	[tilespmem:$0x10400] =	vst v63  }
0x2e: {  	s17 =	sadd.s32 s3, s11;
	s20 =	sand.u32 $0x1FFFFFF0, s12;
	s22 =	spop (v2sf);
	(v2sf) =	vpush v63, $0x5  }
0x2f: {  	[tilespmem:s16], [sflag:$0x1] =	stream.linear.gather [hbm4b:s17+s1], $0x80, $0x38;
	[tilespmem:$0x10400] =	vst v63  }
0x30: {  	s11 =	sadd.s32 s4, s20;
	(v2sf) =	vpush v1, $0x6;
	s8 =	sand.u32 $0x1FFFFFF0, s22;
	s24 =	spop (v2sf)  }
0x31: {  	[tilespmem:s21], [sflag:$0x2] =	stream.linear.gather [hbm4b:s11+s1], $0x80, $0x38;
	[tilespmem:$0x10400] =	vst v63  }
0x32: {  	s8 =	sadd.s32 s3, s8;
	s25 =	spop (v2sf);
	s11 =	sand.u32 $0x1FFFFFF0, s24  }
0x33: {  	[tilespmem:s23], [sflag:$0x1] =	stream.linear.gather [hbm4b:s8+s1], $0x80, $0x38;
	[tilespmem:$0x10400] =	vst v63  }
0x34: {  	s12 =	simm.s32 $0x8A00;
	(v2sf) =	vpush v63, $0x6;
	s30 =	sand.u32 $0x1FFFFFF0, s25;
	s29 =	sadd.s32 s4, s11  }
0x35: {  	[tilespmem:s26], [sflag:$0x2] =	stream.linear.gather [hbm4b:s29+s1], $0x80, $0x38;
	[tilespmem:$0x10400] =	vst v63  }
0x36: {  	s13 =	sadd.s32 s3, s30;
	s21 =	simm.s32 $0x8680;
	s31 =	spop (v2sf)  }
0x37: {  	[tilespmem:s10], [sflag:$0x1] =	stream.linear.gather [hbm4b:s13+s1], $0x80, $0x38;
	[tilespmem:$0x10400] =	vst v63  }
0x38: {  	s23 =	simm.s32 $0x700;
	(v2sf) =	vpush v1, $0x7;
	s6 =	sand.u32 $0x1FFFFFF0, s31;
	s15 =	spop (v2sf)  }
0x39: {  	s6 =	sadd.s32 s4, s6;
	s10 =	sand.u32 $0x1FFFFFF0, s15;
	s16 =	spop (v2sf)  }
0x3a: {  	(v2sf) =	vpush v63, $0x7;
	[tilespmem:s7], [sflag:$0x2] =	stream.linear.gather [hbm4b:s6+s1], $0x80, $0x38;
	[tilespmem:$0x10400] =	vst v63  }
0x3b: {  	s13 =	simm.s32 $0xA80;
	(v2sf) =	vpush v1, $0x8;
	s17 =	sadd.s32 s3, s10;
	s20 =	sand.u32 $0x1FFFFFF0, s16  }
0x3c: {  	s22 =	spop (v2sf);
	s10 =	simm.s32 $0x8A80;
	s7 =	sadd.s32 s4, s20  }
0x3d: {  	(v2sf) =	vpush v63, $0x8;
	s24 =	sand.u32 $0x1FFFFFF0, s22;
	s25 =	spop (v2sf);
	s22 =	simm.s32 $0x8780  }
0x3e: {  	[tilespmem:s9], [sflag:$0x1] =	stream.linear.gather [hbm4b:s17+s1], $0x80, $0x38;
	[tilespmem:$0x10400] =	vst v63  }
0x3f: {  	(v2sf) =	vpush v1, $0x9;
	s8 =	sadd.s32 s3, s24;
	s9 =	sand.u32 $0x1FFFFFF0, s25;
	s26 =	spop (v2sf)  }
0x40: {  	[tilespmem:s14], [sflag:$0x2] =	stream.linear.gather [hbm4b:s7+s1], $0x80, $0x38;
	[tilespmem:$0x10400] =	vst v63  }
0x41: {  	(v2sf) =	vpush v63, $0x9;
	s17 =	simm.s32 $0x780;
	s24 =	simm.s32 $0x800;
	s29 =	sadd.s32 s4, s9  }
0x42: {  	[tilespmem:s5], [sflag:$0x1] =	stream.linear.gather [hbm4b:s8+s1], $0x80, $0x38;
	[tilespmem:$0x10400] =	vst v63  }
0x43: {  	s30 =	sand.u32 $0x1FFFFFF0, s26;
	s31 =	spop (v2sf);
	(v2sf) =	vpush v1, $0xA;
	s9 =	simm.s32 $0x8880  }
0x44: {  	[tilespmem:s21], [sflag:$0x2] =	stream.linear.gather [hbm4b:s29+s1], $0x80, $0x38;
	[tilespmem:$0x10400] =	vst v63  }
0x45: {  	s11 =	sadd.s32 s3, s30;
	s14 =	simm.s32 $0x8700;
	(v2sf) =	vpush v63, $0xA;
	s6 =	sand.u32 $0x1FFFFFF0, s31  }
0x46: {  	[tilespmem:s23], [sflag:$0x1] =	stream.linear.gather [hbm4b:s11+s1], $0x80, $0x38;
	[tilespmem:$0x10400] =	vst v63  }
0x47: {  	s6 =	sadd.s32 s4, s6;
	s29 =	simm.s32 $0x8800;
	s15 =	spop (v2sf);
	(v2sf) =	vpush v1, $0xB  }
0x48: {  	[tilespmem:s14], [sflag:$0x2] =	stream.linear.gather [hbm4b:s6+s1], $0x80, $0x38;
	[tilespmem:$0x10400] =	vst v63  }
0x49: {  	s14 =	simm.s32 $0x900;
	s8 =	sand.u32 $0x1FFFFFF0, s15;
	s16 =	spop (v2sf)  }
0x4a: {  	s20 =	sadd.s32 s3, s8;
	s21 =	sand.u32 $0x1FFFFFF0, s16;
	s23 =	spop (v2sf)  }
0x4b: {  	(v2sf) =	vpush v63, $0xB;
	[tilespmem:s17], [sflag:$0x1] =	stream.linear.gather [hbm4b:s20+s1], $0x80, $0x38;
	[tilespmem:$0x10400] =	vst v63  }
0x4c: {  	s8 =	sadd.s32 s4, s21;
	s7 =	sand.u32 $0x1FFFFFF0, s23;
	s25 =	spop (v2sf)  }
0x4d: {  	[tilespmem:s22], [sflag:$0x2] =	stream.linear.gather [hbm4b:s8+s1], $0x80, $0x38;
	[tilespmem:$0x10400] =	vst v63  }
0x4e: {  	(v2sf) =	vpush v1, $0xC;
	s7 =	sadd.s32 s3, s7;
	s26 =	spop (v2sf);
	s8 =	sand.u32 $0x1FFFFFF0, s25  }
0x4f: {  	(v2sf) =	vpush v63, $0xC;
	[tilespmem:s24], [sflag:$0x1] =	stream.linear.gather [hbm4b:s7+s1], $0x80, $0x38;
	[tilespmem:$0x10400] =	vst v63  }
0x50: {  	s31 =	sand.u32 $0x1FFFFFF0, s26;
	s11 =	spop (v2sf);
	s30 =	sadd.s32 s4, s8  }
0x51: {  	[tilespmem:s29], [sflag:$0x2] =	stream.linear.gather [hbm4b:s30+s1], $0x80, $0x38;
	[tilespmem:$0x10400] =	vst v63  }
0x52: {  	s8 =	sadd.s32 s3, s31;
	s15 =	spop (v2sf);
	s7 =	sand.u32 $0x1FFFFFF0, s11  }
0x53: {  	[tilespmem:s2], [sflag:$0x1] =	stream.linear.gather [hbm4b:s8+s1], $0x80, $0x38;
	[tilespmem:$0x10400] =	vst v63  }
0x54: {  	s16 =	spop (v2sf);
	s7 =	sadd.s32 s4, s7;
	s8 =	sand.u32 $0x1FFFFFF0, s15  }
0x55: {  	[tilespmem:s9], [sflag:$0x2] =	stream.linear.gather [hbm4b:s7+s1], $0x80, $0x38;
	[tilespmem:$0x10400] =	vst v63  }
0x56: {  	s20 =	sand.u32 $0x1FFFFFF0, s16;
	s17 =	sadd.s32 s3, s8;
	s21 =	spop (v2sf)  }
0x57: {  	[tilespmem:s14], [sflag:$0x1] =	stream.linear.gather [hbm4b:s17+s1], $0x80, $0x38;
	[tilespmem:$0x10400] =	vst v63  }
0x58: {  	s5 =	simm.s32 $0x8980;
	s22 =	sadd.s32 s4, s20;
	s23 =	sand.u32 $0x1FFFFFF0, s21  }
0x59: {  	[tilespmem:s0], [sflag:$0x2] =	stream.linear.gather [hbm4b:s22+s1], $0x80, $0x38;
	[tilespmem:$0x10400] =	vst v63  }
0x5a: {  	s25 =	simm.s32 $0x980;
	(v2sf) =	vpush v1, $0xD;
	s24 =	spop (v2sf);
	s26 =	sadd.s32 s3, s23  }
0x5b: {  	(v2sf) =	vpush v63, $0xD;
	s29 =	sand.u32 $0x1FFFFFF0, s24;
	s23 =	simm.s32 $0x10;
	s24 =	simm.s32 $0x210  }
0x5c: {  	(v2sf) =	vpush v1, $0xE;
	[tilespmem:s25], [sflag:$0x1] =	stream.linear.gather [hbm4b:s26+s1], $0x80, $0x38;
	[tilespmem:$0x10400] =	vst v63  }
0x5d: {  	s30 =	sadd.s32 s4, s29;
	(v2sf) =	vpush v63, $0xE;
	s31 =	spop (v2sf);
	s26 =	simm.s32 $0xB00  }
0x5e: {  	(v2sf) =	vpush v1, $0xF;
	s25 =	simm.s32 $0x8B00;
	s0 =	sand.u32 $0x1FFFFFF0, s31;
	s2 =	spop (v2sf)  }
0x5f: {  	(v2sf) =	vpush v63, $0xF;
	[tilespmem:s5], [sflag:$0x2] =	stream.linear.gather [hbm4b:s30+s1], $0x80, $0x38;
	[tilespmem:$0x10400] =	vst v63  }
.LBB2_2:
0x60: {  	_ =	sdelay $0x4  }
0x61: {  	s0 =	sadd.s32 s3, s0;
	s2 =	sand.u32 $0x1FFFFFF0, s2  }
0x62: {  	[tilespmem:s28], [sflag:$0x1] =	stream.linear.gather [hbm4b:s0+s1], $0x80, $0x38;
	[tilespmem:$0x10400] =	vst v63  }
0x63: {  	s29 =	sadd.s32 s4, s2  }
0x64: {  	[tilespmem:s12], [sflag:$0x2] =	stream.linear.gather [hbm4b:s29+s1], $0x80, $0x38;
	[tilespmem:$0x10400] =	vst v63  }
0x65: {  	s5 =	spop (v2sf)  }
0x66: {  	s30 =	sand.u32 $0x1FFFFFF0, s5;
	s31 =	spop (v2sf)  }
0x67: {  	s2 =	sadd.s32 s3, s30;
	s5 =	sand.u32 $0x1FFFFFF0, s31;
	s6 =	spop (v2sf)  }
0x68: {  	[tilespmem:s13], [sflag:$0x1] =	stream.linear.gather [hbm4b:s2+s1], $0x80, $0x38;
	[tilespmem:$0x10400] =	vst v63  }
0x69: {  	s7 =	sadd.s32 s4, s5;
	s8 =	sand.u32 $0x1FFFFFF0, s6;
	s9 =	spop (v2sf)  }
0x6a: {  	[tilespmem:s10], [sflag:$0x2] =	stream.linear.gather [hbm4b:s7+s1], $0x80, $0x38;
	[tilespmem:$0x10400] =	vst v63  }
0x6b: {  	s11 =	sand.u32 $0x1FFFFFF0, s9;
	s12 =	spop (v2sf);
	s10 =	sadd.s32 s3, s8  }
0x6c: {  	[tilespmem:s26], [sflag:$0x1] =	stream.linear.gather [hbm4b:s10+s1], $0x80, $0x38;
	[tilespmem:$0x10400] =	vst v63  }
0x6d: {  	s13 =	sadd.s32 s4, s11;
	s14 =	sand.u32 $0x1FFFFFF0, s12;
	s15 =	spop (v2sf)  }
0x6e: {  	[tilespmem:s25], [sflag:$0x2] =	stream.linear.gather [hbm4b:s13+s1], $0x80, $0x38;
	[tilespmem:$0x10400] =	vst v63  }
0x6f: {  	s16 =	sadd.s32 $0xB80, s18;
	s2 =	sadd.s32 s3, s14;
	s5 =	sand.u32 $0x1FFFFFF0, s15  }
0x70: {  	[tilespmem:s16], [sflag:$0x1] =	stream.linear.gather [hbm4b:s2+s1], $0x80, $0x38;
	[tilespmem:$0x10400] =	vst v63  }
0x71: {  	s17 =	sadd.s32 $0x8B80, s18;
	s18 =	sadd.s32 s4, s5  }
0x72: {  	[tilespmem:s17], [sflag:$0x2] =	stream.linear.gather [hbm4b:s18+s1], $0x80, $0x38;
	[tilespmem:$0x10400] =	vst v63  }
0x73: {  	v0 =	vld [tilespmem:s23+$0x0]  }
0x74: {  	v2 =	vld [tilespmem:s24+$0x0];
	_ =	sdelay $0x3  }
0x75: {  	v1 =	vshll.u32 v0, $0x4  }
0x76: {  	s20 =	smov.u32 s19;
	v63 =	vshll.u32 v2, $0x4;
	(v2sf) =	vpush v1, $0x0  }
0x77: {  	s18 =	sshra.s32 s20, $0x2;
	(v2sf) =	vpush v63, $0x0  }
0x78: {  	p0 =	sne.s32 s19, $0x1E000;
	s19 =	sadd.s32 $0x2000, s19;
	s30 =	sadd.s32 $0x8400, s18;
	(v2sf) =	vpush v1, $0x1  }
0x79: {  	s6 =	sadd.s32 $0x680, s18;
	s0 =	sadd.s32 $0x880, s18;
	s29 =	sadd.s32 $0x400, s18  }
0x7a: {  	s13 =	sadd.s32 $0x600, s18;
	s21 =	sadd.s32 $0x8900, s18;
	s12 =	sadd.s32 $0x580, s18;
	(v2sf) =	vpush v63, $0x1  }
0x7b: {  	s17 =	sadd.s32 $0x8580, s18;
	s22 =	sadd.s32 $0x8A00, s18;
	s20 =	sadd.s32 $0x500, s18  }
0x7c: {  	s15 =	sadd.s32 $0x8600, s18;
	s5 =	sadd.s32 $0xA80, s18;
	s31 =	sadd.s32 $0x8480, s18;
	(v2sf) =	vpush v1, $0x2  }
0x7d: {  	s11 =	sadd.s32 $0x8680, s18;
	s10 =	sadd.s32 $0x700, s18;
	[dreg:$0x8] =	wrdreg s0  }
0x7e: {  	s25 =	sadd.s32 $0x8980, s18;
	s26 =	sadd.s32 $0x8A80, s18;
	[dreg:$0x4] =	wrdreg s21;
	(v2sf) =	vpush v63, $0x2  }
0x7f: {  	s9 =	sadd.s32 $0x8700, s18;
	s7 =	sadd.s32 $0x8880, s18;
	[dreg:$0x12] =	wrdreg s22  }
0x80: {  	s8 =	sadd.s32 $0x900, s18;
	s14 =	sadd.s32 $0x8800, s18;
	[dreg:$0x6] =	wrdreg s25;
	(v2sf) =	vpush v1, $0x3  }
0x81: {  	s28 =	sadd.s32 $0xA00, s18;
	s16 =	sadd.s32 $0x800, s18;
	[dreg:$0x14] =	wrdreg s26  }
0x82: {  	s23 =	sadd.s32 $0x10, s23;
	s24 =	sadd.s32 $0x10, s24;
	[dreg:$0xc] =	wrdreg s7;
	(v2sf) =	vpush v63, $0x3  }
0x83: {  	s2 =	sadd.s32 $0x980, s18;
	s0 =	sadd.s32 $0x8500, s18;
	[dreg:$0xa] =	wrdreg s8  }
0x84: {  	s8 =	sadd.s32 $0x780, s18;
	[dreg:$0xe] =	wrdreg s14;
	s14 =	sadd.s32 $0x480, s18;
	(v2sf) =	vpush v1, $0x4  }
0x85: {  	s7 =	sadd.s32 $0x8780, s18;
	[dreg:$0x10] =	wrdreg s16;
	s21 =	spop (v2sf)  }
0x86: {  	s26 =	sadd.s32 $0xB00, s18;
	s21 =	sand.u32 $0x1FFFFFF0, s21;
	s22 =	spop (v2sf);
	(v2sf) =	vpush v63, $0x4  }
0x87: {  	s21 =	sadd.s32 s3, s21;
	s22 =	sand.u32 $0x1FFFFFF0, s22;
	s16 =	spop (v2sf)  }
0x88: {  	(v2sf) =	vpush v1, $0x5;
	[tilespmem:s29], [sflag:$0x1] =	stream.linear.gather [hbm4b:s21+s1], $0x80, $0x38;
	[tilespmem:$0x10400] =	vst v63  }
0x89: {  	s22 =	sadd.s32 s4, s22;
	s16 =	sand.u32 $0x1FFFFFF0, s16;
	s29 =	spop (v2sf);
	(v2sf) =	vpush v63, $0x5  }
0x8a: {  	[tilespmem:s30], [sflag:$0x2] =	stream.linear.gather [hbm4b:s22+s1], $0x80, $0x38;
	[tilespmem:$0x10400] =	vst v63  }
0x8b: {  	s16 =	sadd.s32 s3, s16;
	s29 =	sand.u32 $0x1FFFFFF0, s29;
	s30 =	spop (v2sf);
	(v2sf) =	vpush v1, $0x6  }
0x8c: {  	[tilespmem:s14], [sflag:$0x1] =	stream.linear.gather [hbm4b:s16+s1], $0x80, $0x38;
	[tilespmem:$0x10400] =	vst v63  }
0x8d: {  	s21 =	sand.u32 $0x1FFFFFF0, s30;
	s22 =	spop (v2sf);
	(v2sf) =	vpush v63, $0x6;
	s16 =	sadd.s32 s4, s29  }
0x8e: {  	[tilespmem:s31], [sflag:$0x2] =	stream.linear.gather [hbm4b:s16+s1], $0x80, $0x38;
	[tilespmem:$0x10400] =	vst v63  }
0x8f: {  	s29 =	sadd.s32 s3, s21;
	s30 =	sand.u32 $0x1FFFFFF0, s22;
	s31 =	spop (v2sf)  }
0x90: {  	(v2sf) =	vpush v1, $0x7;
	[tilespmem:s20], [sflag:$0x1] =	stream.linear.gather [hbm4b:s29+s1], $0x80, $0x38;
	[tilespmem:$0x10400] =	vst v63  }
0x91: {  	s21 =	sand.u32 $0x1FFFFFF0, s31;
	s22 =	spop (v2sf);
	s20 =	sadd.s32 s4, s30  }
0x92: {  	(v2sf) =	vpush v63, $0x7;
	[tilespmem:s0], [sflag:$0x2] =	stream.linear.gather [hbm4b:s20+s1], $0x80, $0x38;
	[tilespmem:$0x10400] =	vst v63  }
0x93: {  	s29 =	sadd.s32 s3, s21;
	s30 =	sand.u32 $0x1FFFFFF0, s22;
	s31 =	spop (v2sf)  }
0x94: {  	[tilespmem:s12], [sflag:$0x1] =	stream.linear.gather [hbm4b:s29+s1], $0x80, $0x38;
	[tilespmem:$0x10400] =	vst v63  }
0x95: {  	s21 =	sand.u32 $0x1FFFFFF0, s31;
	s20 =	sadd.s32 s4, s30;
	s22 =	spop (v2sf)  }
0x96: {  	(v2sf) =	vpush v1, $0x8;
	[tilespmem:s17], [sflag:$0x2] =	stream.linear.gather [hbm4b:s20+s1], $0x80, $0x38;
	[tilespmem:$0x10400] =	vst v63  }
0x97: {  	s25 =	sadd.s32 $0x8B00, s18;
	s29 =	sadd.s32 s3, s21;
	s31 =	spop (v2sf)  }
0x98: {  	s12 =	rddreg [dreg:$0x12];
	(v2sf) =	vpush v63, $0x8;
	s30 =	sand.u32 $0x1FFFFFF0, s22;
	s20 =	spop (v2sf)  }
0x99: {  	(v2sf) =	vpush v1, $0x9;
	[tilespmem:s13], [sflag:$0x1] =	stream.linear.gather [hbm4b:s29+s1], $0x80, $0x38;
	[tilespmem:$0x10400] =	vst v63  }
0x9a: {  	s16 =	sadd.s32 s4, s30;
	s17 =	sand.u32 $0x1FFFFFF0, s31;
	s29 =	spop (v2sf)  }
0x9b: {  	(v2sf) =	vpush v63, $0x9;
	[tilespmem:s15], [sflag:$0x2] =	stream.linear.gather [hbm4b:s16+s1], $0x80, $0x38;
	[tilespmem:$0x10400] =	vst v63  }
0x9c: {  	s22 =	sand.u32 $0x1FFFFFF0, s20;
	s13 =	smov.u32 s5;
	s5 =	spop (v2sf)  }
0x9d: {  	s21 =	sadd.s32 s3, s17;
	s30 =	sadd.s32 s4, s22;
	s14 =	sand.u32 $0x1FFFFFF0, s5  }
0x9e: {  	[tilespmem:s6], [sflag:$0x1] =	stream.linear.gather [hbm4b:s21+s1], $0x80, $0x38;
	[tilespmem:$0x10400] =	vst v63  }
0x9f: {  	(v2sf) =	vpush v1, $0xA;
	s31 =	sand.u32 $0x1FFFFFF0, s29;
	s16 =	sadd.s32 s4, s14;
	s15 =	spop (v2sf)  }
0xa0: {  	[tilespmem:s11], [sflag:$0x2] =	stream.linear.gather [hbm4b:s30+s1], $0x80, $0x38;
	[tilespmem:$0x10400] =	vst v63  }
0xa1: {  	(v2sf) =	vpush v63, $0xA;
	s11 =	sadd.s32 s3, s31;
	s17 =	sand.u32 $0x1FFFFFF0, s15;
	s20 =	spop (v2sf)  }
0xa2: {  	[tilespmem:s10], [sflag:$0x1] =	stream.linear.gather [hbm4b:s11+s1], $0x80, $0x38;
	[tilespmem:$0x10400] =	vst v63  }
0xa3: {  	s21 =	sadd.s32 s3, s17;
	s22 =	sand.u32 $0x1FFFFFF0, s20;
	s10 =	rddreg [dreg:$0x14]  }
0xa4: {  	[tilespmem:s9], [sflag:$0x2] =	stream.linear.gather [hbm4b:s16+s1], $0x80, $0x38;
	[tilespmem:$0x10400] =	vst v63  }
0xa5: {  	(v2sf) =	vpush v1, $0xB;
	s29 =	spop (v2sf);
	s30 =	sadd.s32 s4, s22;
	s22 =	rddreg [dreg:$0x8]  }
0xa6: {  	[tilespmem:s8], [sflag:$0x1] =	stream.linear.gather [hbm4b:s21+s1], $0x80, $0x38;
	[tilespmem:$0x10400] =	vst v63  }
0xa7: {  	(v2sf) =	vpush v63, $0xB;
	s31 =	sand.u32 $0x1FFFFFF0, s29;
	s9 =	rddreg [dreg:$0x10];
	s5 =	spop (v2sf)  }
0xa8: {  	(v2sf) =	vpush v1, $0xC;
	s6 =	sadd.s32 s3, s31;
	s16 =	rddreg [dreg:$0xe];
	s8 =	spop (v2sf)  }
0xa9: {  	[tilespmem:s7], [sflag:$0x2] =	stream.linear.gather [hbm4b:s30+s1], $0x80, $0x38;
	[tilespmem:$0x10400] =	vst v63  }
0xaa: {  	(v2sf) =	vpush v63, $0xC;
	s7 =	sand.u32 $0x1FFFFFF0, s5;
	s14 =	sand.u32 $0x1FFFFFF0, s8;
	s15 =	spop (v2sf)  }
0xab: {  	[tilespmem:s9], [sflag:$0x1] =	stream.linear.gather [hbm4b:s6+s1], $0x80, $0x38;
	[tilespmem:$0x10400] =	vst v63  }
0xac: {  	s8 =	rddreg [dreg:$0xc];
	s11 =	sadd.s32 s4, s7;
	s17 =	sadd.s32 s3, s14  }
0xad: {  	[tilespmem:s16], [sflag:$0x2] =	stream.linear.gather [hbm4b:s11+s1], $0x80, $0x38;
	[tilespmem:$0x10400] =	vst v63  }
0xae: {  	s20 =	sand.u32 $0x1FFFFFF0, s15;
	s15 =	rddreg [dreg:$0xa];
	s21 =	spop (v2sf)  }
0xaf: {  	[tilespmem:s22], [sflag:$0x1] =	stream.linear.gather [hbm4b:s17+s1], $0x80, $0x38;
	[tilespmem:$0x10400] =	vst v63  }
0xb0: {  	s29 =	sadd.s32 s4, s20;
	s30 =	sand.u32 $0x1FFFFFF0, s21;
	s31 =	spop (v2sf)  }
0xb1: {  	[tilespmem:s8], [sflag:$0x2] =	stream.linear.gather [hbm4b:s29+s1], $0x80, $0x38;
	[tilespmem:$0x10400] =	vst v63  }
0xb2: {  	s21 =	rddreg [dreg:$0x4];
	s9 =	sadd.s32 s3, s30;
	s11 =	sand.u32 $0x1FFFFFF0, s31  }
0xb3: {  	[tilespmem:s15], [sflag:$0x1] =	stream.linear.gather [hbm4b:s9+s1], $0x80, $0x38;
	[tilespmem:$0x10400] =	vst v63  }
0xb4: {  	s31 =	rddreg [dreg:$0x6];
	s16 =	sadd.s32 s4, s11;
	s14 =	spop (v2sf)  }
0xb5: {  	(v2sf) =	vpush v1, $0xD;
	[tilespmem:s21], [sflag:$0x2] =	stream.linear.gather [hbm4b:s16+s1], $0x80, $0x38;
	[tilespmem:$0x10400] =	vst v63  }
.Ltmp0:
0xb6: {  	(v2sf) =	vpush v63, $0xD;
	s17 =	sand.u32 $0x1FFFFFF0, s14;
	s20 =	spop (v2sf);
	(pc) =	sbr.rel @p0 .LBB2_2-.Ltmp0, $4  }
0xb7: {  	(v2sf) =	vpush v1, $0xE;
	s22 =	sadd.s32 s3, s17;
	s29 =	sand.u32 $0x1FFFFFF0, s20;
	s30 =	spop (v2sf)  }
0xb8: {  	(v2sf) =	vpush v63, $0xE;
	[tilespmem:s2], [sflag:$0x1] =	stream.linear.gather [hbm4b:s22+s1], $0x80, $0x38;
	[tilespmem:$0x10400] =	vst v63  }
0xb9: {  	(v2sf) =	vpush v1, $0xF;
	s5 =	sadd.s32 s4, s29;
	s0 =	sand.u32 $0x1FFFFFF0, s30;
	s2 =	spop (v2sf)  }
0xba: {  	(v2sf) =	vpush v63, $0xF;
	[tilespmem:s31], [sflag:$0x2] =	stream.linear.gather [hbm4b:s5+s1], $0x80, $0x38;
	[tilespmem:$0x10400] =	vst v63  }
0xbb: {  	_ =	sdelay $0x4  }
0xbc: {  	s0 =	sadd.s32 s3, s0;
	s2 =	sand.u32 $0x1FFFFFF0, s2  }
0xbd: {  	[tilespmem:s28], [sflag:$0x1] =	stream.linear.gather [hbm4b:s0+s1], $0x80, $0x38;
	[tilespmem:$0x10400] =	vst v63  }
0xbe: {  	s7 =	sadd.s32 s4, s2  }
0xbf: {  	[tilespmem:s12], [sflag:$0x2] =	stream.linear.gather [hbm4b:s7+s1], $0x80, $0x38;
	[tilespmem:$0x10400] =	vst v63  }
0xc0: {  	s5 =	spop (v2sf)  }
0xc1: {  	s8 =	sand.u32 $0x1FFFFFF0, s5;
	s9 =	spop (v2sf)  }
0xc2: {  	s11 =	sadd.s32 s3, s8;
	s12 =	sand.u32 $0x1FFFFFF0, s9;
	s14 =	spop (v2sf)  }
0xc3: {  	[tilespmem:s13], [sflag:$0x1] =	stream.linear.gather [hbm4b:s11+s1], $0x80, $0x38;
	[tilespmem:$0x10400] =	vst v63  }
0xc4: {  	s15 =	sadd.s32 s4, s12;
	s16 =	sand.u32 $0x1FFFFFF0, s14;
	s17 =	spop (v2sf)  }
0xc5: {  	[tilespmem:s10], [sflag:$0x2] =	stream.linear.gather [hbm4b:s15+s1], $0x80, $0x38;
	[tilespmem:$0x10400] =	vst v63  }
0xc6: {  	s19 =	sadd.s32 s3, s16;
	s20 =	sand.u32 $0x1FFFFFF0, s17;
	s21 =	spop (v2sf)  }
0xc7: {  	[tilespmem:s26], [sflag:$0x1] =	stream.linear.gather [hbm4b:s19+s1], $0x80, $0x38;
	[tilespmem:$0x10400] =	vst v63  }
0xc8: {  	s22 =	sadd.s32 s4, s20;
	s23 =	sand.u32 $0x1FFFFFF0, s21;
	s24 =	spop (v2sf)  }
0xc9: {  	[tilespmem:s25], [sflag:$0x2] =	stream.linear.gather [hbm4b:s22+s1], $0x80, $0x38;
	[tilespmem:$0x10400] =	vst v63  }
0xca: {  	s2 =	sadd.s32 s3, s23;
	s5 =	sand.u32 $0x1FFFFFF0, s24;
	s25 =	sadd.s32 $0xB80, s18  }
0xcb: {  	[tilespmem:s25], [sflag:$0x1] =	stream.linear.gather [hbm4b:s2+s1], $0x80, $0x38;
	[tilespmem:$0x10400] =	vst v63  }
0xcc: {  	s30 =	simm.s32 $0x1;
	s26 =	sadd.s32 $0x8B80, s18;
	s29 =	sadd.s32 s4, s5  }
0xcd: {  	[tilespmem:s26], [sflag:$0x2] =	stream.linear.gather [hbm4b:s29+s1], $0x80, $0x38;
	[tilespmem:$0x10400] =	vst v63  }
0xce: {  	_ =	swait.ge [sflag:s30], $0x8000  }
0xcf: {  	s31 =	simm.s32 $0x0;
	s6 =	simm.s32 $0x400;
	[sflag:s30] =	ssyncset.done $0x0  }
0xd0: {  	s7 =	simm.s32 $0x3;
	s5 =	rddreg [dreg:$0x18];
	[sflag:s30] =	ssyncadd.s32 $0xFFFF8000  }
0xd1: {  	[hbm4b:s5+s31] =	stream.linear.scatter [tilespmem:s6], [sflag:$0x3], $0x8000, $0x38;
	[tilespmem:$0x10400] =	vst v63  }
0xd2: {  	_ =	swait.ge [sflag:s7], $0x8000  }
0xd3: {  	[sflag:s7] =	ssyncset.done $0x0  }
0xd4: {  	s8 =	simm.s32 $0x2;
	[sflag:s7] =	ssyncadd.s32 $0xFFFF8000  }
0xd5: {  	_ =	swait.ge [sflag:s8], $0x8000  }
0xd6: {  	[sflag:s8] =	ssyncset.done $0x0  }
0xd7: {  	s6 =	simm.s32 $0x8400;
	s9 =	rddreg [dreg:$0x19];
	[sflag:s8] =	ssyncadd.s32 $0xFFFF8000  }
0xd8: {  	[hbm4b:s9+s31] =	stream.linear.scatter [tilespmem:s6], [sflag:$0x3], $0x8000, $0x38;
	[tilespmem:$0x10400] =	vst v63  }
0xd9: {  	_ =	swait.ge [sflag:s7], $0x8000  }
0xda: {  	[sflag:s7] =	ssyncset.done $0x0  }
0xdb: {  	s10 =	simm.s32 $0x100;
	[sflag:s7] =	ssyncadd.s32 $0xFFFF8000  }
0xdc: {  	s11 =	simm.s32 $0x300;
	v0 =	vld [tilespmem:s10+$0x0]  }
0xdd: {  	v2 =	vld [tilespmem:s11+$0x0];
	_ =	sdelay $0x3  }
0xde: {  	v1 =	vshll.u32 v0, $0x4  }
0xdf: {  	v63 =	vshll.u32 v2, $0x4;
	(v2sf) =	vpush v1, $0x0  }
0xe0: {  	(v2sf) =	vpush v63, $0x0;
	_ =	sdelay $0x2  }
0xe1: {  	(v2sf) =	vpush v1, $0x1  }
0xe2: {  	(v2sf) =	vpush v63, $0x1;
	_ =	sdelay $0x1  }
0xe3: {  	(v2sf) =	vpush v1, $0x2;
	_ =	sdelay $0x1  }
0xe4: {  	(v2sf) =	vpush v63, $0x2;
	_ =	sdelay $0x1  }
0xe5: {  	s0 =	simm.s32 $0x8900;
	(v2sf) =	vpush v1, $0x3  }
0xe6: {  	s28 =	simm.s32 $0xA00;
	s12 =	simm.s32 $0x8400;
	s16 =	simm.s32 $0x480  }
0xe7: {  	s21 =	simm.s32 $0x8480;
	s23 =	simm.s32 $0x500;
	s19 =	simm.s32 $0x2000;
	(v2sf) =	vpush v63, $0x3  }
0xe8: {  	s18 =	simm.s32 $0x0;
	s2 =	simm.s32 $0x880;
	s26 =	simm.s32 $0x8500  }
0xe9: {  	s5 =	simm.s32 $0x680;
	s9 =	simm.s32 $0x600;
	s8 =	spop (v2sf)  }
0xea: {  	s7 =	simm.s32 $0x400;
	s8 =	sand.u32 $0x1FFFFFF0, s8;
	s11 =	spop (v2sf)  }
0xeb: {  	s10 =	simm.s32 $0x580;
	(v2sf) =	vpush v1, $0x4;
	s8 =	sadd.s32 s3, s8;
	s13 =	sand.u32 $0x1FFFFFF0, s11  }
0xec: {  	(v2sf) =	vpush v63, $0x4;
	[tilespmem:s7], [sflag:$0x1] =	stream.linear.gather [hbm4b:s8+s1], $0x80, $0x38;
	[tilespmem:$0x10400] =	vst v63  }
0xed: {  	s14 =	spop (v2sf);
	s7 =	simm.s32 $0x8580;
	s8 =	sadd.s32 s4, s13  }
0xee: {  	s11 =	sand.u32 $0x1FFFFFF0, s14;
	s15 =	spop (v2sf);
	s14 =	simm.s32 $0x8600  }
0xef: {  	(v2sf) =	vpush v1, $0x5;
	[tilespmem:s12], [sflag:$0x2] =	stream.linear.gather [hbm4b:s8+s1], $0x80, $0x38;
	[tilespmem:$0x10400] =	vst v63  }
0xf0: {  	s17 =	sadd.s32 s3, s11;
	s20 =	sand.u32 $0x1FFFFFF0, s15;
	s22 =	spop (v2sf)  }
0xf1: {  	(v2sf) =	vpush v63, $0x5;
	[tilespmem:s16], [sflag:$0x1] =	stream.linear.gather [hbm4b:s17+s1], $0x80, $0x38;
	[tilespmem:$0x10400] =	vst v63  }
0xf2: {  	s11 =	sadd.s32 s4, s20;
	s8 =	sand.u32 $0x1FFFFFF0, s22;
	s24 =	spop (v2sf)  }
0xf3: {  	[tilespmem:s21], [sflag:$0x2] =	stream.linear.gather [hbm4b:s11+s1], $0x80, $0x38;
	[tilespmem:$0x10400] =	vst v63  }
0xf4: {  	(v2sf) =	vpush v1, $0x6;
	s8 =	sadd.s32 s3, s8;
	s25 =	spop (v2sf);
	s11 =	sand.u32 $0x1FFFFFF0, s24  }
0xf5: {  	(v2sf) =	vpush v63, $0x6;
	[tilespmem:s23], [sflag:$0x1] =	stream.linear.gather [hbm4b:s8+s1], $0x80, $0x38;
	[tilespmem:$0x10400] =	vst v63  }
0xf6: {  	s30 =	sand.u32 $0x1FFFFFF0, s25;
	s31 =	spop (v2sf);
	s29 =	sadd.s32 s4, s11  }
0xf7: {  	(v2sf) =	vpush v1, $0x7;
	[tilespmem:s26], [sflag:$0x2] =	stream.linear.gather [hbm4b:s29+s1], $0x80, $0x38;
	[tilespmem:$0x10400] =	vst v63  }
0xf8: {  	s12 =	simm.s32 $0x8A00;
	s13 =	sadd.s32 s3, s30;
	s6 =	sand.u32 $0x1FFFFFF0, s31  }
0xf9: {  	[tilespmem:s10], [sflag:$0x1] =	stream.linear.gather [hbm4b:s13+s1], $0x80, $0x38;
	[tilespmem:$0x10400] =	vst v63  }
0xfa: {  	s6 =	sadd.s32 s4, s6;
	s21 =	simm.s32 $0x8680;
	s15 =	spop (v2sf)  }
0xfb: {  	(v2sf) =	vpush v63, $0x7;
	s23 =	simm.s32 $0x700;
	s10 =	sand.u32 $0x1FFFFFF0, s15;
	s16 =	spop (v2sf)  }
0xfc: {  	[tilespmem:s7], [sflag:$0x2] =	stream.linear.gather [hbm4b:s6+s1], $0x80, $0x38;
	[tilespmem:$0x10400] =	vst v63  }
0xfd: {  	s13 =	simm.s32 $0xA80;
	(v2sf) =	vpush v1, $0x8;
	s17 =	sadd.s32 s3, s10;
	s20 =	sand.u32 $0x1FFFFFF0, s16  }
0xfe: {  	s10 =	simm.s32 $0x8A80;
	s22 =	spop (v2sf);
	s7 =	sadd.s32 s4, s20  }
0xff: {  	(v2sf) =	vpush v63, $0x8;
	[tilespmem:s9], [sflag:$0x1] =	stream.linear.gather [hbm4b:s17+s1], $0x80, $0x38;
	[tilespmem:$0x10400] =	vst v63  }
0x100: {  	s24 =	sand.u32 $0x1FFFFFF0, s22;
	s25 =	spop (v2sf);
	s17 =	simm.s32 $0x780  }
0x101: {  	(v2sf) =	vpush v1, $0x9;
	s22 =	simm.s32 $0x8780;
	s8 =	sadd.s32 s3, s24;
	s9 =	sand.u32 $0x1FFFFFF0, s25  }
0x102: {  	(v2sf) =	vpush v63, $0x9;
	[tilespmem:s14], [sflag:$0x2] =	stream.linear.gather [hbm4b:s7+s1], $0x80, $0x38;
	[tilespmem:$0x10400] =	vst v63  }
0x103: {  	s26 =	spop (v2sf);
	s24 =	simm.s32 $0x800;
	s29 =	sadd.s32 s4, s9  }
0x104: {  	(v2sf) =	vpush v1, $0xA;
	s30 =	sand.u32 $0x1FFFFFF0, s26;
	s31 =	spop (v2sf);
	s14 =	simm.s32 $0x8700  }
0x105: {  	[tilespmem:s5], [sflag:$0x1] =	stream.linear.gather [hbm4b:s8+s1], $0x80, $0x38;
	[tilespmem:$0x10400] =	vst v63  }
0x106: {  	(v2sf) =	vpush v63, $0xA;
	s9 =	simm.s32 $0x8880;
	s11 =	sadd.s32 s3, s30;
	s15 =	spop (v2sf)  }
0x107: {  	[tilespmem:s21], [sflag:$0x2] =	stream.linear.gather [hbm4b:s29+s1], $0x80, $0x38;
	[tilespmem:$0x10400] =	vst v63  }
0x108: {  	s6 =	sand.u32 $0x1FFFFFF0, s31;
	(v2sf) =	vpush v1, $0xB;
	s5 =	simm.s32 $0x8980;
	s8 =	sand.u32 $0x1FFFFFF0, s15  }
0x109: {  	[tilespmem:s23], [sflag:$0x1] =	stream.linear.gather [hbm4b:s11+s1], $0x80, $0x38;
	[tilespmem:$0x10400] =	vst v63  }
0x10a: {  	s6 =	sadd.s32 s4, s6;
	s16 =	spop (v2sf);
	s20 =	sadd.s32 s3, s8  }
0x10b: {  	[tilespmem:s14], [sflag:$0x2] =	stream.linear.gather [hbm4b:s6+s1], $0x80, $0x38;
	[tilespmem:$0x10400] =	vst v63  }
0x10c: {  	(v2sf) =	vpush v63, $0xB;
	s21 =	sand.u32 $0x1FFFFFF0, s16;
	s29 =	simm.s32 $0x8800;
	s23 =	spop (v2sf)  }
0x10d: {  	[tilespmem:s17], [sflag:$0x1] =	stream.linear.gather [hbm4b:s20+s1], $0x80, $0x38;
	[tilespmem:$0x10400] =	vst v63  }
0x10e: {  	s8 =	sadd.s32 s4, s21;
	s7 =	sand.u32 $0x1FFFFFF0, s23;
	s25 =	spop (v2sf)  }
0x10f: {  	[tilespmem:s22], [sflag:$0x2] =	stream.linear.gather [hbm4b:s8+s1], $0x80, $0x38;
	[tilespmem:$0x10400] =	vst v63  }
0x110: {  	s14 =	simm.s32 $0x900;
	(v2sf) =	vpush v1, $0xC;
	s7 =	sadd.s32 s3, s7;
	s26 =	spop (v2sf)  }
0x111: {  	s8 =	sand.u32 $0x1FFFFFF0, s25;
	(v2sf) =	vpush v63, $0xC;
	s25 =	simm.s32 $0x980;
	s11 =	spop (v2sf)  }
0x112: {  	[tilespmem:s24], [sflag:$0x1] =	stream.linear.gather [hbm4b:s7+s1], $0x80, $0x38;
	[tilespmem:$0x10400] =	vst v63  }
0x113: {  	s30 =	sadd.s32 s4, s8;
	s31 =	sand.u32 $0x1FFFFFF0, s26;
	s15 =	spop (v2sf)  }
0x114: {  	[tilespmem:s29], [sflag:$0x2] =	stream.linear.gather [hbm4b:s30+s1], $0x80, $0x38;
	[tilespmem:$0x10400] =	vst v63  }
0x115: {  	s8 =	sadd.s32 s3, s31;
	s7 =	sand.u32 $0x1FFFFFF0, s11;
	s16 =	spop (v2sf)  }
0x116: {  	[tilespmem:s2], [sflag:$0x1] =	stream.linear.gather [hbm4b:s8+s1], $0x80, $0x38;
	[tilespmem:$0x10400] =	vst v63  }
0x117: {  	s7 =	sadd.s32 s4, s7;
	s21 =	spop (v2sf);
	s8 =	sand.u32 $0x1FFFFFF0, s15  }
0x118: {  	[tilespmem:s9], [sflag:$0x2] =	stream.linear.gather [hbm4b:s7+s1], $0x80, $0x38;
	[tilespmem:$0x10400] =	vst v63  }
0x119: {  	s20 =	sand.u32 $0x1FFFFFF0, s16;
	s23 =	sand.u32 $0x1FFFFFF0, s21;
	s17 =	sadd.s32 s3, s8  }
0x11a: {  	[tilespmem:s14], [sflag:$0x1] =	stream.linear.gather [hbm4b:s17+s1], $0x80, $0x38;
	[tilespmem:$0x10400] =	vst v63  }
0x11b: {  	s22 =	sadd.s32 s4, s20;
	s24 =	spop (v2sf);
	s26 =	sadd.s32 s3, s23  }
0x11c: {  	(v2sf) =	vpush v1, $0xD;
	[tilespmem:s0], [sflag:$0x2] =	stream.linear.gather [hbm4b:s22+s1], $0x80, $0x38;
	[tilespmem:$0x10400] =	vst v63  }
0x11d: {  	(v2sf) =	vpush v63, $0xD;
	s29 =	sand.u32 $0x1FFFFFF0, s24;
	s23 =	simm.s32 $0x110;
	s24 =	simm.s32 $0x310  }
0x11e: {  	(v2sf) =	vpush v1, $0xE;
	[tilespmem:s25], [sflag:$0x1] =	stream.linear.gather [hbm4b:s26+s1], $0x80, $0x38;
	[tilespmem:$0x10400] =	vst v63  }
0x11f: {  	s30 =	sadd.s32 s4, s29;
	(v2sf) =	vpush v63, $0xE;
	s31 =	spop (v2sf);
	s26 =	simm.s32 $0xB00  }
0x120: {  	(v2sf) =	vpush v1, $0xF;
	s25 =	simm.s32 $0x8B00;
	s0 =	sand.u32 $0x1FFFFFF0, s31;
	s2 =	spop (v2sf)  }
0x121: {  	(v2sf) =	vpush v63, $0xF;
	[tilespmem:s5], [sflag:$0x2] =	stream.linear.gather [hbm4b:s30+s1], $0x80, $0x38;
	[tilespmem:$0x10400] =	vst v63  }
.LBB2_4:
0x122: {  	_ =	sdelay $0x4  }
0x123: {  	s0 =	sadd.s32 s3, s0;
	s2 =	sand.u32 $0x1FFFFFF0, s2  }
0x124: {  	[tilespmem:s28], [sflag:$0x1] =	stream.linear.gather [hbm4b:s0+s1], $0x80, $0x38;
	[tilespmem:$0x10400] =	vst v63  }
0x125: {  	s29 =	sadd.s32 s4, s2  }
0x126: {  	[tilespmem:s12], [sflag:$0x2] =	stream.linear.gather [hbm4b:s29+s1], $0x80, $0x38;
	[tilespmem:$0x10400] =	vst v63  }
0x127: {  	s5 =	spop (v2sf)  }
0x128: {  	s30 =	sand.u32 $0x1FFFFFF0, s5;
	s31 =	spop (v2sf)  }
0x129: {  	s2 =	sadd.s32 s3, s30;
	s5 =	sand.u32 $0x1FFFFFF0, s31;
	s6 =	spop (v2sf)  }
0x12a: {  	[tilespmem:s13], [sflag:$0x1] =	stream.linear.gather [hbm4b:s2+s1], $0x80, $0x38;
	[tilespmem:$0x10400] =	vst v63  }
0x12b: {  	s7 =	sadd.s32 s4, s5;
	s8 =	sand.u32 $0x1FFFFFF0, s6;
	s9 =	spop (v2sf)  }
0x12c: {  	[tilespmem:s10], [sflag:$0x2] =	stream.linear.gather [hbm4b:s7+s1], $0x80, $0x38;
	[tilespmem:$0x10400] =	vst v63  }
0x12d: {  	s11 =	sand.u32 $0x1FFFFFF0, s9;
	s12 =	spop (v2sf);
	s10 =	sadd.s32 s3, s8  }
0x12e: {  	[tilespmem:s26], [sflag:$0x1] =	stream.linear.gather [hbm4b:s10+s1], $0x80, $0x38;
	[tilespmem:$0x10400] =	vst v63  }
0x12f: {  	s13 =	sadd.s32 s4, s11;
	s14 =	sand.u32 $0x1FFFFFF0, s12;
	s15 =	spop (v2sf)  }
0x130: {  	[tilespmem:s25], [sflag:$0x2] =	stream.linear.gather [hbm4b:s13+s1], $0x80, $0x38;
	[tilespmem:$0x10400] =	vst v63  }
0x131: {  	s16 =	sadd.s32 $0xB80, s18;
	s2 =	sadd.s32 s3, s14;
	s5 =	sand.u32 $0x1FFFFFF0, s15  }
0x132: {  	[tilespmem:s16], [sflag:$0x1] =	stream.linear.gather [hbm4b:s2+s1], $0x80, $0x38;
	[tilespmem:$0x10400] =	vst v63  }
0x133: {  	s17 =	sadd.s32 $0x8B80, s18;
	s18 =	sadd.s32 s4, s5  }
0x134: {  	[tilespmem:s17], [sflag:$0x2] =	stream.linear.gather [hbm4b:s18+s1], $0x80, $0x38;
	[tilespmem:$0x10400] =	vst v63  }
0x135: {  	v0 =	vld [tilespmem:s23+$0x0]  }
0x136: {  	v2 =	vld [tilespmem:s24+$0x0];
	_ =	sdelay $0x3  }
0x137: {  	v1 =	vshll.u32 v0, $0x4  }
0x138: {  	s20 =	smov.u32 s19;
	v63 =	vshll.u32 v2, $0x4;
	(v2sf) =	vpush v1, $0x0  }
0x139: {  	s18 =	sshra.s32 s20, $0x2;
	(v2sf) =	vpush v63, $0x0  }
0x13a: {  	p0 =	sne.s32 s19, $0x1E000;
	s19 =	sadd.s32 $0x2000, s19;
	s30 =	sadd.s32 $0x8400, s18;
	(v2sf) =	vpush v1, $0x1  }
0x13b: {  	s6 =	sadd.s32 $0x680, s18;
	s0 =	sadd.s32 $0x880, s18;
	s29 =	sadd.s32 $0x400, s18  }
0x13c: {  	s13 =	sadd.s32 $0x600, s18;
	s21 =	sadd.s32 $0x8900, s18;
	s12 =	sadd.s32 $0x580, s18;
	(v2sf) =	vpush v63, $0x1  }
0x13d: {  	s17 =	sadd.s32 $0x8580, s18;
	s22 =	sadd.s32 $0x8A00, s18;
	s20 =	sadd.s32 $0x500, s18  }
0x13e: {  	s15 =	sadd.s32 $0x8600, s18;
	s5 =	sadd.s32 $0xA80, s18;
	s31 =	sadd.s32 $0x8480, s18;
	(v2sf) =	vpush v1, $0x2  }
0x13f: {  	s11 =	sadd.s32 $0x8680, s18;
	s10 =	sadd.s32 $0x700, s18;
	[dreg:$0x9] =	wrdreg s0  }
0x140: {  	s25 =	sadd.s32 $0x8980, s18;
	s26 =	sadd.s32 $0x8A80, s18;
	[dreg:$0x5] =	wrdreg s21;
	(v2sf) =	vpush v63, $0x2  }
0x141: {  	s9 =	sadd.s32 $0x8700, s18;
	s7 =	sadd.s32 $0x8880, s18;
	[dreg:$0x13] =	wrdreg s22  }
0x142: {  	s8 =	sadd.s32 $0x900, s18;
	s14 =	sadd.s32 $0x8800, s18;
	[dreg:$0x7] =	wrdreg s25;
	(v2sf) =	vpush v1, $0x3  }
0x143: {  	s28 =	sadd.s32 $0xA00, s18;
	s16 =	sadd.s32 $0x800, s18;
	[dreg:$0x15] =	wrdreg s26  }
0x144: {  	s23 =	sadd.s32 $0x10, s23;
	s24 =	sadd.s32 $0x10, s24;
	[dreg:$0xd] =	wrdreg s7;
	(v2sf) =	vpush v63, $0x3  }
0x145: {  	s2 =	sadd.s32 $0x980, s18;
	s0 =	sadd.s32 $0x8500, s18;
	[dreg:$0xb] =	wrdreg s8  }
0x146: {  	s8 =	sadd.s32 $0x780, s18;
	[dreg:$0xf] =	wrdreg s14;
	s14 =	sadd.s32 $0x480, s18;
	(v2sf) =	vpush v1, $0x4  }
0x147: {  	s7 =	sadd.s32 $0x8780, s18;
	[dreg:$0x11] =	wrdreg s16;
	s21 =	spop (v2sf)  }
0x148: {  	s26 =	sadd.s32 $0xB00, s18;
	s21 =	sand.u32 $0x1FFFFFF0, s21;
	s22 =	spop (v2sf);
	(v2sf) =	vpush v63, $0x4  }
0x149: {  	s21 =	sadd.s32 s3, s21;
	s22 =	sand.u32 $0x1FFFFFF0, s22;
	s16 =	spop (v2sf)  }
0x14a: {  	(v2sf) =	vpush v1, $0x5;
	[tilespmem:s29], [sflag:$0x1] =	stream.linear.gather [hbm4b:s21+s1], $0x80, $0x38;
	[tilespmem:$0x10400] =	vst v63  }
0x14b: {  	s22 =	sadd.s32 s4, s22;
	s16 =	sand.u32 $0x1FFFFFF0, s16;
	s29 =	spop (v2sf);
	(v2sf) =	vpush v63, $0x5  }
0x14c: {  	[tilespmem:s30], [sflag:$0x2] =	stream.linear.gather [hbm4b:s22+s1], $0x80, $0x38;
	[tilespmem:$0x10400] =	vst v63  }
0x14d: {  	s16 =	sadd.s32 s3, s16;
	s29 =	sand.u32 $0x1FFFFFF0, s29;
	s30 =	spop (v2sf);
	(v2sf) =	vpush v1, $0x6  }
0x14e: {  	[tilespmem:s14], [sflag:$0x1] =	stream.linear.gather [hbm4b:s16+s1], $0x80, $0x38;
	[tilespmem:$0x10400] =	vst v63  }
0x14f: {  	s21 =	sand.u32 $0x1FFFFFF0, s30;
	s22 =	spop (v2sf);
	(v2sf) =	vpush v63, $0x6;
	s16 =	sadd.s32 s4, s29  }
0x150: {  	[tilespmem:s31], [sflag:$0x2] =	stream.linear.gather [hbm4b:s16+s1], $0x80, $0x38;
	[tilespmem:$0x10400] =	vst v63  }
0x151: {  	s29 =	sadd.s32 s3, s21;
	s30 =	sand.u32 $0x1FFFFFF0, s22;
	s31 =	spop (v2sf)  }
0x152: {  	(v2sf) =	vpush v1, $0x7;
	[tilespmem:s20], [sflag:$0x1] =	stream.linear.gather [hbm4b:s29+s1], $0x80, $0x38;
	[tilespmem:$0x10400] =	vst v63  }
0x153: {  	s21 =	sand.u32 $0x1FFFFFF0, s31;
	s22 =	spop (v2sf);
	s20 =	sadd.s32 s4, s30  }
0x154: {  	(v2sf) =	vpush v63, $0x7;
	[tilespmem:s0], [sflag:$0x2] =	stream.linear.gather [hbm4b:s20+s1], $0x80, $0x38;
	[tilespmem:$0x10400] =	vst v63  }
0x155: {  	s29 =	sadd.s32 s3, s21;
	s30 =	sand.u32 $0x1FFFFFF0, s22;
	s31 =	spop (v2sf)  }
0x156: {  	[tilespmem:s12], [sflag:$0x1] =	stream.linear.gather [hbm4b:s29+s1], $0x80, $0x38;
	[tilespmem:$0x10400] =	vst v63  }
0x157: {  	s21 =	sand.u32 $0x1FFFFFF0, s31;
	s20 =	sadd.s32 s4, s30;
	s22 =	spop (v2sf)  }
0x158: {  	(v2sf) =	vpush v1, $0x8;
	[tilespmem:s17], [sflag:$0x2] =	stream.linear.gather [hbm4b:s20+s1], $0x80, $0x38;
	[tilespmem:$0x10400] =	vst v63  }
0x159: {  	s25 =	sadd.s32 $0x8B00, s18;
	s29 =	sadd.s32 s3, s21;
	s31 =	spop (v2sf)  }
0x15a: {  	s12 =	rddreg [dreg:$0x13];
	(v2sf) =	vpush v63, $0x8;
	s30 =	sand.u32 $0x1FFFFFF0, s22;
	s20 =	spop (v2sf)  }
0x15b: {  	(v2sf) =	vpush v1, $0x9;
	[tilespmem:s13], [sflag:$0x1] =	stream.linear.gather [hbm4b:s29+s1], $0x80, $0x38;
	[tilespmem:$0x10400] =	vst v63  }
0x15c: {  	s16 =	sadd.s32 s4, s30;
	s17 =	sand.u32 $0x1FFFFFF0, s31;
	s29 =	spop (v2sf)  }
0x15d: {  	(v2sf) =	vpush v63, $0x9;
	[tilespmem:s15], [sflag:$0x2] =	stream.linear.gather [hbm4b:s16+s1], $0x80, $0x38;
	[tilespmem:$0x10400] =	vst v63  }
0x15e: {  	s22 =	sand.u32 $0x1FFFFFF0, s20;
	s13 =	smov.u32 s5;
	s5 =	spop (v2sf)  }
0x15f: {  	s21 =	sadd.s32 s3, s17;
	s30 =	sadd.s32 s4, s22;
	s14 =	sand.u32 $0x1FFFFFF0, s5  }
0x160: {  	[tilespmem:s6], [sflag:$0x1] =	stream.linear.gather [hbm4b:s21+s1], $0x80, $0x38;
	[tilespmem:$0x10400] =	vst v63  }
0x161: {  	(v2sf) =	vpush v1, $0xA;
	s31 =	sand.u32 $0x1FFFFFF0, s29;
	s16 =	sadd.s32 s4, s14;
	s15 =	spop (v2sf)  }
0x162: {  	[tilespmem:s11], [sflag:$0x2] =	stream.linear.gather [hbm4b:s30+s1], $0x80, $0x38;
	[tilespmem:$0x10400] =	vst v63  }
0x163: {  	(v2sf) =	vpush v63, $0xA;
	s11 =	sadd.s32 s3, s31;
	s17 =	sand.u32 $0x1FFFFFF0, s15;
	s20 =	spop (v2sf)  }
0x164: {  	[tilespmem:s10], [sflag:$0x1] =	stream.linear.gather [hbm4b:s11+s1], $0x80, $0x38;
	[tilespmem:$0x10400] =	vst v63  }
0x165: {  	s21 =	sadd.s32 s3, s17;
	s22 =	sand.u32 $0x1FFFFFF0, s20;
	s10 =	rddreg [dreg:$0x15]  }
0x166: {  	[tilespmem:s9], [sflag:$0x2] =	stream.linear.gather [hbm4b:s16+s1], $0x80, $0x38;
	[tilespmem:$0x10400] =	vst v63  }
0x167: {  	(v2sf) =	vpush v1, $0xB;
	s29 =	spop (v2sf);
	s30 =	sadd.s32 s4, s22;
	s22 =	rddreg [dreg:$0x9]  }
0x168: {  	[tilespmem:s8], [sflag:$0x1] =	stream.linear.gather [hbm4b:s21+s1], $0x80, $0x38;
	[tilespmem:$0x10400] =	vst v63  }
0x169: {  	(v2sf) =	vpush v63, $0xB;
	s31 =	sand.u32 $0x1FFFFFF0, s29;
	s9 =	rddreg [dreg:$0x11];
	s5 =	spop (v2sf)  }
0x16a: {  	(v2sf) =	vpush v1, $0xC;
	s6 =	sadd.s32 s3, s31;
	s16 =	rddreg [dreg:$0xf];
	s8 =	spop (v2sf)  }
0x16b: {  	[tilespmem:s7], [sflag:$0x2] =	stream.linear.gather [hbm4b:s30+s1], $0x80, $0x38;
	[tilespmem:$0x10400] =	vst v63  }
0x16c: {  	(v2sf) =	vpush v63, $0xC;
	s7 =	sand.u32 $0x1FFFFFF0, s5;
	s14 =	sand.u32 $0x1FFFFFF0, s8;
	s15 =	spop (v2sf)  }
0x16d: {  	[tilespmem:s9], [sflag:$0x1] =	stream.linear.gather [hbm4b:s6+s1], $0x80, $0x38;
	[tilespmem:$0x10400] =	vst v63  }
0x16e: {  	s8 =	rddreg [dreg:$0xd];
	s11 =	sadd.s32 s4, s7;
	s17 =	sadd.s32 s3, s14  }
0x16f: {  	[tilespmem:s16], [sflag:$0x2] =	stream.linear.gather [hbm4b:s11+s1], $0x80, $0x38;
	[tilespmem:$0x10400] =	vst v63  }
0x170: {  	s20 =	sand.u32 $0x1FFFFFF0, s15;
	s15 =	rddreg [dreg:$0xb];
	s21 =	spop (v2sf)  }
0x171: {  	[tilespmem:s22], [sflag:$0x1] =	stream.linear.gather [hbm4b:s17+s1], $0x80, $0x38;
	[tilespmem:$0x10400] =	vst v63  }
0x172: {  	s29 =	sadd.s32 s4, s20;
	s30 =	sand.u32 $0x1FFFFFF0, s21;
	s31 =	spop (v2sf)  }
0x173: {  	[tilespmem:s8], [sflag:$0x2] =	stream.linear.gather [hbm4b:s29+s1], $0x80, $0x38;
	[tilespmem:$0x10400] =	vst v63  }
0x174: {  	s21 =	rddreg [dreg:$0x5];
	s9 =	sadd.s32 s3, s30;
	s11 =	sand.u32 $0x1FFFFFF0, s31  }
0x175: {  	[tilespmem:s15], [sflag:$0x1] =	stream.linear.gather [hbm4b:s9+s1], $0x80, $0x38;
	[tilespmem:$0x10400] =	vst v63  }
0x176: {  	s31 =	rddreg [dreg:$0x7];
	s16 =	sadd.s32 s4, s11;
	s14 =	spop (v2sf)  }
0x177: {  	(v2sf) =	vpush v1, $0xD;
	[tilespmem:s21], [sflag:$0x2] =	stream.linear.gather [hbm4b:s16+s1], $0x80, $0x38;
	[tilespmem:$0x10400] =	vst v63  }
.Ltmp1:
0x178: {  	(v2sf) =	vpush v63, $0xD;
	s17 =	sand.u32 $0x1FFFFFF0, s14;
	s20 =	spop (v2sf);
	(pc) =	sbr.rel @p0 .LBB2_4-.Ltmp1, $4  }
0x179: {  	(v2sf) =	vpush v1, $0xE;
	s22 =	sadd.s32 s3, s17;
	s29 =	sand.u32 $0x1FFFFFF0, s20;
	s30 =	spop (v2sf)  }
0x17a: {  	(v2sf) =	vpush v63, $0xE;
	[tilespmem:s2], [sflag:$0x1] =	stream.linear.gather [hbm4b:s22+s1], $0x80, $0x38;
	[tilespmem:$0x10400] =	vst v63  }
0x17b: {  	(v2sf) =	vpush v1, $0xF;
	s5 =	sadd.s32 s4, s29;
	s0 =	sand.u32 $0x1FFFFFF0, s30;
	s2 =	spop (v2sf)  }
0x17c: {  	(v2sf) =	vpush v63, $0xF;
	[tilespmem:s31], [sflag:$0x2] =	stream.linear.gather [hbm4b:s5+s1], $0x80, $0x38;
	[tilespmem:$0x10400] =	vst v63  }
0x17d: {  	_ =	sdelay $0x4  }
0x17e: {  	s0 =	sadd.s32 s3, s0;
	s2 =	sand.u32 $0x1FFFFFF0, s2  }
0x17f: {  	[tilespmem:s28], [sflag:$0x1] =	stream.linear.gather [hbm4b:s0+s1], $0x80, $0x38;
	[tilespmem:$0x10400] =	vst v63  }
0x180: {  	s29 =	sadd.s32 s4, s2  }
0x181: {  	[tilespmem:s12], [sflag:$0x2] =	stream.linear.gather [hbm4b:s29+s1], $0x80, $0x38;
	[tilespmem:$0x10400] =	vst v63  }
0x182: {  	s5 =	spop (v2sf)  }
0x183: {  	s30 =	sand.u32 $0x1FFFFFF0, s5;
	s31 =	spop (v2sf)  }
0x184: {  	s6 =	sadd.s32 s3, s30;
	s7 =	sand.u32 $0x1FFFFFF0, s31;
	s8 =	spop (v2sf)  }
0x185: {  	[tilespmem:s13], [sflag:$0x1] =	stream.linear.gather [hbm4b:s6+s1], $0x80, $0x38;
	[tilespmem:$0x10400] =	vst v63  }
0x186: {  	s9 =	sadd.s32 s4, s7;
	s11 =	sand.u32 $0x1FFFFFF0, s8;
	s12 =	spop (v2sf)  }
0x187: {  	[tilespmem:s10], [sflag:$0x2] =	stream.linear.gather [hbm4b:s9+s1], $0x80, $0x38;
	[tilespmem:$0x10400] =	vst v63  }
0x188: {  	s13 =	sadd.s32 s3, s11;
	s14 =	sand.u32 $0x1FFFFFF0, s12;
	s15 =	spop (v2sf)  }
0x189: {  	[tilespmem:s26], [sflag:$0x1] =	stream.linear.gather [hbm4b:s13+s1], $0x80, $0x38;
	[tilespmem:$0x10400] =	vst v63  }
0x18a: {  	s16 =	sadd.s32 s4, s14;
	s17 =	sand.u32 $0x1FFFFFF0, s15;
	s19 =	spop (v2sf)  }
0x18b: {  	[tilespmem:s25], [sflag:$0x2] =	stream.linear.gather [hbm4b:s16+s1], $0x80, $0x38;
	[tilespmem:$0x10400] =	vst v63  }
0x18c: {  	s20 =	sadd.s32 $0xB80, s18;
	s2 =	sadd.s32 s3, s17;
	s5 =	sand.u32 $0x1FFFFFF0, s19  }
0x18d: {  	[tilespmem:s20], [sflag:$0x1] =	stream.linear.gather [hbm4b:s2+s1], $0x80, $0x38;
	[tilespmem:$0x10400] =	vst v63  }
0x18e: {  	s21 =	sadd.s32 $0x8B80, s18;
	s23 =	simm.s32 $0x1;
	s22 =	sadd.s32 s4, s5  }
0x18f: {  	[tilespmem:s21], [sflag:$0x2] =	stream.linear.gather [hbm4b:s22+s1], $0x80, $0x38;
	[tilespmem:$0x10400] =	vst v63  }
0x190: {  	_ =	swait.ge [sflag:s23], $0x8000  }
0x191: {  	s5 =	simm.s32 $0x3;
	[sflag:s23] =	ssyncset.done $0x0  }
0x192: {  	s25 =	simm.s32 $0x400;
	s24 =	rddreg [dreg:$0x1a];
	[sflag:s23] =	ssyncadd.s32 $0xFFFF8000  }
0x193: {  	[hbm4b:s24+s1] =	stream.linear.scatter [tilespmem:s25], [sflag:$0x3], $0x8000, $0x38;
	[tilespmem:$0x10400] =	vst v63  }
0x194: {  	_ =	swait.ge [sflag:s5], $0x8000  }
0x195: {  	[sflag:s5] =	ssyncset.done $0x0  }
0x196: {  	s26 =	simm.s32 $0x2;
	[sflag:s5] =	ssyncadd.s32 $0xFFFF8000  }
0x197: {  	_ =	swait.ge [sflag:s26], $0x8000  }
0x198: {  	[sflag:s26] =	ssyncset.done $0x0  }
0x199: {  	s29 =	simm.s32 $0x8400;
	s28 =	rddreg [dreg:$0x1b];
	[sflag:s26] =	ssyncadd.s32 $0xFFFF8000  }
0x19a: {  	[hbm4b:s28+s1] =	stream.linear.scatter [tilespmem:s29], [sflag:$0x3], $0x8000, $0x38;
	[tilespmem:$0x10400] =	vst v63  }
0x19b: {  	_ =	swait.ge [sflag:s5], $0x8000  }
0x19c: {  	s30 =	rddreg [dreg:$0x1d]  }
0x19d: {  	s31 =	rddreg [dreg:$0x1c];
	s2 =	sadd.s32 $0x1, s30  }
0x19e: {  	p0 =	sne.s32 s2, s31  }
.Ltmp2:
0x19f: {  	_ = 	snop;
	(pc) =	sbr.rel @p0 .LBB2_1-.Ltmp2, $3  }
0x1a0: {  	_ =	sdelay $0x1  }
0x1a1: {  	[sflag:s5] =	ssyncset.done $0x0  }
0x1a2: {  	[sflag:s5] =	ssyncadd.s32 $0xFFFF8000  }
0x1a3: {  	_ =	sfence.sel $0x180000  }
0x1a4: {  	[bflag:$0x0] =	sbarrier.arrive $0xFFFF  }
0x1a5: {  	_ =	strace $0x90000047  }
0x1a6: {  	s0 =	stileid.u32;
	[bflag:$0x2] =	sbarrier.arrive $0xFFFF  }
0x1a7: {  	p0 =	sne.s32 s0, $0x0;
	s0 =	rddreg [dreg:$0x3]  }
0x1a8: {  	s0 =	sadd.s32 @!p0 $0x100000, s0  }
0x1a9: {  	[sflag:s0] =	ssyncadd.tile.s32 @!p0 $0x1;
	_ =	shalt  }
.Lfunc_end2:
_tile_overlayer_lowered:
.L_overlay_start_2:
0x1aa: {  	(tag) =	ssettag $0x2  }
0x1ab: {  	s0 =	rddreg [dreg:$0x0];
	s2 =	stileid.u32  }
0x1ac: {  	s1 =	rddreg [dreg:$0x1];
	p0 =	sne.s32 s2, $0x0  }
0x1ad: {  	s3 =	rddreg [dreg:$0x2];
	[bflag:$0x3] =	sbarrier.arrive $0xFFFF;
	s2 =	simm.s32 @!p0 $0x1C03  }
0x1ae: {  	[timem:s3], [sflag:s2] =	dma.local @!p0 [hbm:s0], s1  }
0x1af: {  	s0 =	simm.s32 @!p0 $0x3  }
0x1b0: {  	_ =	swait.ge @!p0 [sflag:s0], s1  }
0x1b1: {  	s1 =	ssub.s32 @!p0 $0x0, s1;
	[sflag:s0] =	ssyncset.done @!p0 $0x0  }
0x1b2: {  	[sflag:s0] =	ssyncadd.s32 @!p0 s1  }
0x1b3: {  	[bflag:$0x3] =	sbarrier.arrive $0xFFFF  }
0x1b4: {  	_ =	shalt  }

</sc_bundles>
